<compile_context>
chip_gen: v7x
topology: tpu7x:2x2x1
jax: 0.10.2.dev20260603
libtpu: 0.0.44.dev20260713+nightly
codegen_flags: <defaults>
</compile_context>

<pallas_src>
import functools

import jax
import jax.numpy as jnp
import numpy as np
from jax import lax
from jax.experimental import pallas as pl
from jax.experimental.pallas import tpu as pltpu
from jax.experimental.pallas import tpu_sc as plsc

B = 8
C_IN = 3
N = 2048
K = 20
C_OUT = 16
BN = B * N
R = B * N * K
KC = K * C_OUT
EPS = 1e-5

TM = 256
RB = 1024
NEG = float("-inf")


def _leaky(v):
    return jnp.where(v >= 0, v, 0.01 * v)


def _knn_body(xt_ref, xb_ref, w1t_ref, w3_ref, idx_ref, y3tT_ref, u1_ref,
              st1_ref):
    b = pl.program_id(0)
    i = pl.program_id(1)
    xr = xt_ref[...]
    xc = xb_ref[0]

    @pl.when(i == 0)
    def _():
        y3tT_ref[...] = jnp.dot(w3_ref[...], xc,
                                preferred_element_type=jnp.float32)

    u1b = jnp.dot(xr, w1t_ref[...], preferred_element_type=jnp.float32)
    u1_ref[...] = u1b

    @pl.when(jnp.logical_and(b == 0, i == 0))
    def _():
        st1_ref[...] = jnp.zeros_like(st1_ref)

    st1_ref[...] += jnp.concatenate(
        [jnp.sum(u1b, axis=0, keepdims=True),
         jnp.sum(u1b * u1b, axis=0, keepdims=True)], axis=0)
    inner = lax.dot_general(
        xr, xc, (((1,), (0,)), ((), ())),
        preferred_element_type=jnp.float32)
    xx_r = jnp.sum(xr * xr, axis=1, keepdims=True)
    xx_c = jnp.sum(xc * xc, axis=0, keepdims=True)
    d = 2.0 * inner - xx_r - xx_c
    col = lax.broadcasted_iota(jnp.int32, (TM, N), 1)
    kcol = lax.broadcasted_iota(jnp.int32, (TM, K), 1)
    acc = jnp.zeros((TM, K), jnp.int32)
    for t in range(K):
        am = jnp.argmax(d, axis=1).astype(jnp.int32)[:, None]
        acc = acc + jnp.where(kcol == t, am, 0)
        d = jnp.where(col == am, NEG, d)
    idx_ref[0] = acc


NW = 32
WPB = NW // B
ROWS_PER_W = R // NW
BN_PER_W = BN // NW
CHB = 16
NCHB = BN_PER_W // CHB


def _gather_sc(table_hbm, gidx_hbm, out_hbm, tab_v, idx_v, rows_v,
               sem_t, sem_i, sem_o0, sem_o1, *, wpb=WPB, rpw=ROWS_PER_W,
               bnpw=BN_PER_W, nchb=NCHB, b_off=0):
    c = lax.axis_index("c")
    s = lax.axis_index("s")
    wid = s * 2 + c
    b = b_off + wid // wpb
    bn_base = wid * bnpw
    gbase = wid * rpw
    ct = pltpu.async_copy(table_hbm.at[:, pl.ds(b * N, N)], tab_v, sem_t)
    ci = pltpu.async_copy(gidx_hbm.at[pl.ds(gbase, rpw)], idx_v, sem_i)
    ct.wait()
    ci.wait()
    lane = lax.broadcasted_iota(jnp.int32, (16,), 0)

    def do_chunk(j, slot):
        slot_ids = jnp.full((16,), slot, jnp.int32)

        def grp(g, carry):
            rid = g * 16 + lane
            bn_l = rid // K
            kc0 = (rid % K) * C_OUT
            nbr = idx_v[pl.ds(j * (CHB * K) + g * 16, 16)]
            for col in range(C_OUT):
                vals = plsc.load_gather(
                    tab_v, [jnp.full((16,), col, jnp.int32), nbr])
                plsc.store_scatter(rows_v, [slot_ids, bn_l, kc0 + col], vals)
            return carry

        lax.fori_loop(0, CHB * K // 16, grp, 0)

    def out_copy(j, slot, sem):
        return pltpu.make_async_copy(
            rows_v.at[slot], out_hbm.at[pl.ds(bn_base + j * CHB, CHB), :], sem)

    def body(jj, carry):
        for slot, sem in ((0, sem_o0), (1, sem_o1)):
            j = jj * 2 + slot

            @pl.when(jj > 0)
            def _():
                out_copy(j - 2, slot, sem).wait()

            do_chunk(j, slot)
            out_copy(j, slot, sem).start()
        return carry

    lax.fori_loop(0, nchb // 2, body, 0)
    out_copy(nchb - 2, 0, sem_o0).wait()
    out_copy(nchb - 1, 1, sem_o1).wait()


def _a1e0_body(u1_ref, st1_ref, w2t_ref, g1_ref, b1_ref, xlp_ref,
               u2_ref, st2_ref, st3_ref):
    i = pl.program_id(0)
    st = st1_ref[...]
    m = st[0:1, :] * (1.0 / BN)
    v = st[1:2, :] * (1.0 / BN) - m * m
    a = g1_ref[...] / jnp.sqrt(v + EPS)
    c = b1_ref[...] - m * a
    h1 = _leaky(u1_ref[...] * a + c)
    u2 = jnp.dot(h1, w2t_ref[...], preferred_element_type=jnp.float32)
    u2_ref[...] = u2

    vv = xlp_ref[...]

    @pl.when(i == 0)
    def _():
        st2_ref[...] = jnp.zeros_like(st2_ref)
        st3_ref[...] = jnp.zeros_like(st3_ref)

    st2_ref[...] += jnp.concatenate(
        [jnp.sum(u2).reshape(1, 1), jnp.sum(u2 * u2).reshape(1, 1)], axis=1)
    st3_ref[...] += jnp.concatenate(
        [jnp.sum(vv, axis=0, keepdims=True),
         jnp.sum(vv * vv, axis=0, keepdims=True)], axis=0)


def _e1_body(xlp_ref, st3_ref, sel_ref, selt_ref, w4b_ref, g3_ref, b3_ref,
             xlout_ref, xk2_ref, st4_ref):
    i = pl.program_id(0)
    cs = st3_ref[...]
    sel = sel_ref[...]
    m16 = jnp.dot(cs[0:1, :], sel, preferred_element_type=jnp.float32) * (1.0 / R)
    q16 = jnp.dot(cs[1:2, :], sel, preferred_element_type=jnp.float32) * (1.0 / R)
    v16 = q16 - m16 * m16
    a16 = g3_ref[...] / jnp.sqrt(v16 + EPS)
    c16 = b3_ref[...] - m16 * a16
    selt = selt_ref[...]
    a320 = jnp.dot(a16, selt, preferred_element_type=jnp.float32)
    c320 = jnp.dot(c16, selt, preferred_element_type=jnp.float32)
    xl = _leaky(xlp_ref[...] * a320 + c320)
    xlout_ref[...] = xl
    xk2 = jnp.dot(xl, w4b_ref[...], preferred_element_type=jnp.float32)
    xk2_ref[...] = xk2

    @pl.when(i == 0)
    def _():
        st4_ref[...] = jnp.zeros_like(st4_ref)

    s = jnp.sum(xk2)
    ss = jnp.sum(xk2 * xk2)
    st4_ref[...] += jnp.concatenate(
        [s.reshape(1, 1), ss.reshape(1, 1)], axis=1)


def _e2_body(xlp_ref, xk2_ref, u2_ref, st2_ref, st4_ref, g2_ref, b2_ref,
             g4_ref, b4_ref, exp_ref, sel_ref, feat_ref):
    st2 = st2_ref[...]
    m2 = st2[0:1, 0:1] * (1.0 / BN)
    v2 = st2[0:1, 1:2] * (1.0 / BN) - m2 * m2
    a2 = g2_ref[...] / jnp.sqrt(v2 + EPS)
    c2 = b2_ref[...] - m2 * a2
    xg = _leaky(u2_ref[...] * a2 + c2)

    st4 = st4_ref[...]
    m4 = st4[0:1, 0:1] * (1.0 / R)
    v4 = st4[0:1, 1:2] * (1.0 / R) - m4 * m4
    a4 = g4_ref[...] / jnp.sqrt(v4 + EPS)
    c4 = b4_ref[...] - m4 * a4
    xk2 = _leaky(xk2_ref[...] * a4 + c4)

    comb = _leaky(xg + xk2)
    mx = jnp.max(comb, axis=1, keepdims=True)
    e = jnp.exp(comb - mx)
    alpha = e / jnp.sum(e, axis=1, keepdims=True)
    aexp = jnp.dot(alpha, exp_ref[...], preferred_element_type=jnp.float32)
    feat_ref[...] = jnp.dot(aexp * xlp_ref[...], sel_ref[...],
                            preferred_element_type=jnp.float32)


def kernel(x, W1, g1, b1, W2, g2, b2, W3, g3, b3, W4, g4, b4):
    f32 = jnp.float32
    xt = jnp.swapaxes(x, 1, 2).reshape(BN, C_IN)

    sel_np = np.zeros((KC, C_OUT), np.float32)
    for k in range(K):
        sel_np[k * C_OUT:(k + 1) * C_OUT, :] = np.eye(C_OUT, dtype=np.float32)
    exp_np = np.zeros((K, KC), np.float32)
    for k in range(K):
        exp_np[k, k * C_OUT:(k + 1) * C_OUT] = 1.0
    SEL = jnp.asarray(sel_np)
    SELT = jnp.asarray(sel_np.T)
    EXPM = jnp.asarray(exp_np)
    w4blk = jnp.asarray(exp_np.T) * jnp.tile(W4[0], K)[:, None]

    nrb = BN // RB
    ntb = N // TM
    gidx, y3tT, u1, st1 = pl.pallas_call(
        _knn_body,
        grid=(B, ntb),
        in_specs=[
            pl.BlockSpec((TM, C_IN), lambda b, i: (b * ntb + i, 0)),
            pl.BlockSpec((1, C_IN, N), lambda b, i: (b, 0, 0)),
            pl.BlockSpec((C_IN, C_OUT), lambda b, i: (0, 0)),
            pl.BlockSpec((C_OUT, C_IN), lambda b, i: (0, 0)),
        ],
        out_specs=[
            pl.BlockSpec((1, TM, K), lambda b, i: (b, i, 0)),
            pl.BlockSpec((C_OUT, N), lambda b, i: (0, b)),
            pl.BlockSpec((TM, C_OUT), lambda b, i: (b * ntb + i, 0)),
            pl.BlockSpec((2, C_OUT), lambda b, i: (0, 0)),
        ],
        out_shape=[
            jax.ShapeDtypeStruct((B, N, K), jnp.int32),
            jax.ShapeDtypeStruct((C_OUT, BN), f32),
            jax.ShapeDtypeStruct((BN, C_OUT), f32),
            jax.ShapeDtypeStruct((2, C_OUT), f32),
        ],
    )(xt, x, W1.T, W3)

    mesh = plsc.VectorSubcoreMesh(core_axis_name="c", subcore_axis_name="s")
    xlp2 = pl.kernel(
        _gather_sc,
        mesh=mesh,
        compiler_params=pltpu.CompilerParams(needs_layout_passes=False),
        out_type=jax.ShapeDtypeStruct((BN, KC), f32),
        scratch_types=[
            pltpu.VMEM((C_OUT, N), f32),
            pltpu.VMEM((ROWS_PER_W,), jnp.int32),
            pltpu.VMEM((2, CHB, KC), f32),
            pltpu.SemaphoreType.DMA,
            pltpu.SemaphoreType.DMA,
            pltpu.SemaphoreType.DMA,
            pltpu.SemaphoreType.DMA,
        ],
    )(y3tT, gidx.reshape(R))

    u2, st2, st3 = pl.pallas_call(
        _a1e0_body,
        grid=(nrb,),
        in_specs=[
            pl.BlockSpec((RB, C_OUT), lambda i: (i, 0)),
            pl.BlockSpec((2, C_OUT), lambda i: (0, 0)),
            pl.BlockSpec((C_OUT, 1), lambda i: (0, 0)),
            pl.BlockSpec((1, C_OUT), lambda i: (0, 0)),
            pl.BlockSpec((1, C_OUT), lambda i: (0, 0)),
            pl.BlockSpec((RB, KC), lambda i: (i, 0)),
        ],
        out_specs=[
            pl.BlockSpec((RB, 1), lambda i: (i, 0)),
            pl.BlockSpec((1, 2), lambda i: (0, 0)),
            pl.BlockSpec((2, KC), lambda i: (0, 0)),
        ],
        out_shape=[
            jax.ShapeDtypeStruct((BN, 1), f32),
            jax.ShapeDtypeStruct((1, 2), f32),
            jax.ShapeDtypeStruct((2, KC), f32),
        ],
    )(u1, st1, W2.T, g1.reshape(1, C_OUT), b1.reshape(1, C_OUT), xlp2)

    xl_p, xk2p, st4 = pl.pallas_call(
        _e1_body,
        grid=(nrb,),
        in_specs=[
            pl.BlockSpec((RB, KC), lambda i: (i, 0)),
            pl.BlockSpec((2, KC), lambda i: (0, 0)),
            pl.BlockSpec((KC, C_OUT), lambda i: (0, 0)),
            pl.BlockSpec((C_OUT, KC), lambda i: (0, 0)),
            pl.BlockSpec((KC, K), lambda i: (0, 0)),
            pl.BlockSpec((1, C_OUT), lambda i: (0, 0)),
            pl.BlockSpec((1, C_OUT), lambda i: (0, 0)),
        ],
        out_specs=[
            pl.BlockSpec((RB, KC), lambda i: (i, 0)),
            pl.BlockSpec((RB, K), lambda i: (i, 0)),
            pl.BlockSpec((1, 2), lambda i: (0, 0)),
        ],
        out_shape=[
            jax.ShapeDtypeStruct((BN, KC), f32),
            jax.ShapeDtypeStruct((BN, K), f32),
            jax.ShapeDtypeStruct((1, 2), f32),
        ],
    )(xlp2, st3, SEL, SELT, w4blk, g3.reshape(1, C_OUT), b3.reshape(1, C_OUT))

    x_feat = pl.pallas_call(
        _e2_body,
        grid=(nrb,),
        in_specs=[
            pl.BlockSpec((RB, KC), lambda i: (i, 0)),
            pl.BlockSpec((RB, K), lambda i: (i, 0)),
            pl.BlockSpec((RB, 1), lambda i: (i, 0)),
            pl.BlockSpec((1, 2), lambda i: (0, 0)),
            pl.BlockSpec((1, 2), lambda i: (0, 0)),
            pl.BlockSpec((1, 1), lambda i: (0, 0)),
            pl.BlockSpec((1, 1), lambda i: (0, 0)),
            pl.BlockSpec((1, 1), lambda i: (0, 0)),
            pl.BlockSpec((1, 1), lambda i: (0, 0)),
            pl.BlockSpec((K, KC), lambda i: (0, 0)),
            pl.BlockSpec((KC, C_OUT), lambda i: (0, 0)),
        ],
        out_specs=pl.BlockSpec((RB, C_OUT), lambda i: (i, 0)),
        out_shape=jax.ShapeDtypeStruct((BN, C_OUT), f32),
    )(xl_p, xk2p, u2, st2, st4, g2.reshape(1, 1), b2.reshape(1, 1),
      g4.reshape(1, 1), b4.reshape(1, 1), EXPM, SEL)

    return (x_feat.reshape(B, N, C_OUT), xl_p.reshape(B, N, K, C_OUT))

# --- scband reference (transcript-rebuilt; emitter-appended) ---
"""Pipeline reference for scband-gaplayer-89661737271399 (READ-ONLY COPY).

The authoritative reference and input builder live on the scoring server;
editing this copy changes nothing except your own understanding.
"""

import jax, jax.numpy as jnp
import numpy as np

B, C_IN, N, K, C_OUT = 8, 3, 2048, 20, 16


def _leaky(x):
    return jax.nn.leaky_relu(x, negative_slope=0.01)


def _bn(x, gamma, beta, axes):
    # training-mode batch norm (batch statistics), eps matches torch default
    mean = jnp.mean(x, axis=axes, keepdims=True)
    var = jnp.var(x, axis=axes, keepdims=True)
    xh = (x - mean) / jnp.sqrt(var + 1e-5)
    shape = [1] * x.ndim
    shape[1] = -1
    return xh * gamma.reshape(shape) + beta.reshape(shape)


def _knn(x, k):
    # x: [B, C, N]
    inner = -2.0 * jnp.matmul(jnp.swapaxes(x, 2, 1), x)
    xx = jnp.sum(x ** 2, axis=1, keepdims=True)
    pairwise_distance = -xx - inner - jnp.swapaxes(xx, 2, 1)
    _, idx = jax.lax.top_k(pairwise_distance, k)
    return idx  # [B, N, k]


def _get_graph_feature(x, k):
    b, c, n = x.shape
    idx = _knn(x, k)
    idx_base = jnp.arange(b).reshape(-1, 1, 1) * n
    idx = (idx + idx_base).reshape(-1)
    x_t = jnp.swapaxes(x, 2, 1).reshape(b * n, c)
    feature = jnp.take(x_t, idx, axis=0).reshape(b, n, k, c)
    return feature


def setup_inputs(seed: int = 0) -> dict:
    key = jax.random.key(seed)
    ks = jax.random.split(key, 5)
    x = jax.random.normal(ks[0], (B, C_IN, N), dtype=jnp.float32)
    W1 = jax.random.normal(ks[1], (C_OUT, C_IN), dtype=jnp.float32) * 0.1
    W2 = jax.random.normal(ks[2], (1, C_OUT), dtype=jnp.float32) * 0.1
    W3 = jax.random.normal(ks[3], (C_OUT, C_IN), dtype=jnp.float32) * 0.1
    W4 = jax.random.normal(ks[4], (1, C_OUT), dtype=jnp.float32) * 0.1
    return {
        "x": x,
        "W1": W1, "g1": jnp.ones((C_OUT,), jnp.float32), "b1": jnp.zeros((C_OUT,), jnp.float32),
        "W2": W2, "g2": jnp.ones((1,), jnp.float32), "b2": jnp.zeros((1,), jnp.float32),
        "W3": W3, "g3": jnp.ones((C_OUT,), jnp.float32), "b3": jnp.zeros((C_OUT,), jnp.float32),
        "W4": W4, "g4": jnp.ones((1,), jnp.float32), "b4": jnp.zeros((1,), jnp.float32),
    }


def reference(x, W1, g1, b1, W2, g2, b2, W3, g3, b3, W4, g4, b4):
    k = K
    # conv1 (1x1 conv1d) + BN + leaky
    xg = _leaky(_bn(jnp.einsum('oc,bcn->bon', W1, x), g1, b1, (0, 2)))
    # conv2
    xg = _leaky(_bn(jnp.einsum('oc,bcn->bon', W2, xg), g2, b2, (0, 2)))
    xg = jnp.repeat(xg[:, :, None, :], k, axis=2)  # [B,1,k,N]
    # graph feature via knn gather
    xk = _get_graph_feature(x, k)            # [B,N,k,C]
    xk = jnp.transpose(xk, (0, 3, 2, 1))     # [B,C,k,N]
    # conv3 (1x1 conv2d)
    xl = _leaky(_bn(jnp.einsum('oc,bckn->bokn', W3, xk), g3, b3, (0, 2, 3)))  # [B,out,k,N]
    # conv4
    xk2 = _leaky(_bn(jnp.einsum('oc,bckn->bokn', W4, xl), g4, b4, (0, 2, 3)))  # [B,1,k,N]
    x_comb = _leaky(xg + xk2)
    alpha = jax.nn.softmax(x_comb, axis=2)   # softmax over k
    xl_p = jnp.transpose(xl, (0, 3, 2, 1))   # [B,N,k,out]
    alpha_p = jnp.transpose(alpha, (0, 3, 1, 2))  # [B,N,1,k]
    x_feat = jnp.squeeze(jnp.matmul(alpha_p, xl_p), axis=2)  # [B,N,out]
    return (x_feat, xl_p)

if __name__ == "__main__":
    import jax
    _d = setup_inputs()
    print(jax.jit(kernel)(*tuple(_d.values())))

</pallas_src>

<mosaic_0001>
#map = affine_map<(d0, d1) -> (0, 0)>
#map1 = affine_map<(d0, d1) -> (0)>
module attributes {stable_mosaic.version = 14 : i64} {
  func.func @_gather_sc(%arg0: i32, %arg1: i32, %arg2: memref<16x16384xf32, #tpu.memory_space<hbm>>, %arg3: memref<327680xi32, #tpu.memory_space<hbm>>, %arg4: memref<16384x320xf32, #tpu.memory_space<hbm>>, %arg5: memref<16x2048xf32, #tpu.memory_space<vmem>>, %arg6: memref<10240xi32, #tpu.memory_space<vmem>>, %arg7: memref<2x16x320xf32, #tpu.memory_space<vmem>>, %arg8: memref<!tpu.dma_semaphore, #tpu.memory_space<semaphore_mem>>, %arg9: memref<!tpu.dma_semaphore, #tpu.memory_space<semaphore_mem>>, %arg10: memref<!tpu.dma_semaphore, #tpu.memory_space<semaphore_mem>>, %arg11: memref<!tpu.dma_semaphore, #tpu.memory_space<semaphore_mem>>) attributes {dimension_semantics = [#tpu.dimension_semantics<core_parallel>, #tpu.dimension_semantics<subcore_parallel>], iteration_bounds = array<i64: 2, 16>, scalar_prefetch = 0 : i64, scratch_operands = 7 : i64, tpu.core_type = #tpu.core_type<sc_vector_subcore>, window_params = [{transform_indices = #map}, {transform_indices = #map1}, {transform_indices = #map}]} {
    %mul3A = arith.constant 2 : i32
    %mul3A_0 = arith.muli %arg1, %mul3A : i32
    %add3A = arith.addi %mul3A_0, %arg0 : i32
    %jit3A = arith.constant 4 : i32
    %div3A = arith.divsi %add3A, %jit3A : i32
    %sign3A = arith.constant 0 : i32
    %sign3A_1 = arith.cmpi sgt, %add3A, %sign3A : i32
    %sign3A_2 = arith.extui %sign3A_1 : i1 to i32
    %sign3A_3 = arith.constant 0 : i32
    %sign3A_4 = arith.cmpi slt, %add3A, %sign3A_3 : i32
    %sign3A_5 = arith.extui %sign3A_4 : i1 to i32
    %sign3A_6 = arith.subi %sign3A_2, %sign3A_5 : i32
    %sign3A_7 = arith.constant 0 : i32
    %sign3A_8 = arith.cmpi sgt, %jit3A, %sign3A_7 : i32
    %sign3A_9 = arith.extui %sign3A_8 : i1 to i32
    %sign3A_10 = arith.constant 0 : i32
    %sign3A_11 = arith.cmpi slt, %jit3A, %sign3A_10 : i32
    %sign3A_12 = arith.extui %sign3A_11 : i1 to i32
    %sign3A_13 = arith.subi %sign3A_9, %sign3A_12 : i32
    %ne3A = arith.cmpi ne, %sign3A_6, %sign3A_13 : i32
    %rem3A = arith.remsi %add3A, %jit3A : i32
    %ne3A_14 = arith.constant 0 : i32
    %ne3A_15 = arith.cmpi ne, %rem3A, %ne3A_14 : i32
    %and3A = arith.andi %ne3A, %ne3A_15 : i1
    %sub3A = arith.constant 1 : i32
    %sub3A_16 = arith.subi %div3A, %sub3A : i32
    %select_n3A = arith.select %and3A, %sub3A_16, %div3A : i32
    %add3A_17 = arith.constant 0 : i32
    %add3A_18 = arith.addi %add3A_17, %select_n3A : i32
    %mul3A_19 = arith.constant 512 : i32
    %mul3A_20 = arith.muli %add3A, %mul3A_19 : i32
    %mul3A_21 = arith.constant 10240 : i32
    %mul3A_22 = arith.muli %add3A, %mul3A_21 : i32
    %mul3A_23 = arith.constant 2048 : i32
    %mul3A_24 = arith.muli %add3A_18, %mul3A_23 : i32
    %dma_start3A = arith.constant 0 : i32
    %dma_start3A_25 = tpu.memref_slice %arg2[%dma_start3A, %mul3A_24] : memref<16x16384xf32, #tpu.memory_space<hbm>> -> memref<16x2048xf32, #tpu.memory_space<hbm>>
    %dma_start3A_26 = arith.constant 0 : i32
    %dma_start3A_27 = tpu.memref_slice %arg2[%dma_start3A_26, %mul3A_24] : memref<16x16384xf32, #tpu.memory_space<hbm>> -> memref<16x2048xf32, #tpu.memory_space<hbm>>
    tpu.enqueue_dma source(%dma_start3A_27 : memref<16x2048xf32, #tpu.memory_space<hbm>>) target(%arg5 : memref<16x2048xf32, #tpu.memory_space<vmem>>) target_semaphore(%arg8 : memref<!tpu.dma_semaphore, #tpu.memory_space<semaphore_mem>>)
    %dma_start3A_28 = tpu.memref_slice %arg3[%mul3A_22] : memref<327680xi32, #tpu.memory_space<hbm>> -> memref<10240xi32, #tpu.memory_space<hbm>>
    %dma_start3A_29 = tpu.memref_slice %arg3[%mul3A_22] : memref<327680xi32, #tpu.memory_space<hbm>> -> memref<10240xi32, #tpu.memory_space<hbm>>
    tpu.enqueue_dma source(%dma_start3A_29 : memref<10240xi32, #tpu.memory_space<hbm>>) target(%arg6 : memref<10240xi32, #tpu.memory_space<vmem>>) target_semaphore(%arg9 : memref<!tpu.dma_semaphore, #tpu.memory_space<semaphore_mem>>)
    %dma_wait3A = arith.constant 0 : i32
    %dma_wait3A_30 = tpu.memref_slice %arg2[%dma_wait3A, %mul3A_24] : memref<16x16384xf32, #tpu.memory_space<hbm>> -> memref<16x2048xf32, #tpu.memory_space<hbm>>
    %dma_wait3A_31 = arith.constant 0 : i32
    %dma_wait3A_32 = tpu.memref_slice %arg2[%dma_wait3A_31, %mul3A_24] : memref<16x16384xf32, #tpu.memory_space<hbm>> -> memref<16x2048xf32, #tpu.memory_space<hbm>>
    tpu.wait_dma2 semaphore(%arg8 : memref<!tpu.dma_semaphore, #tpu.memory_space<semaphore_mem>>) src(%dma_wait3A_32 : memref<16x2048xf32, #tpu.memory_space<hbm>>) dst(%arg5 : memref<16x2048xf32, #tpu.memory_space<vmem>>)
    %dma_wait3A_33 = tpu.memref_slice %arg3[%mul3A_22] : memref<327680xi32, #tpu.memory_space<hbm>> -> memref<10240xi32, #tpu.memory_space<hbm>>
    %dma_wait3A_34 = tpu.memref_slice %arg3[%mul3A_22] : memref<327680xi32, #tpu.memory_space<hbm>> -> memref<10240xi32, #tpu.memory_space<hbm>>
    tpu.wait_dma2 semaphore(%arg9 : memref<!tpu.dma_semaphore, #tpu.memory_space<semaphore_mem>>) src(%dma_wait3A_34 : memref<10240xi32, #tpu.memory_space<hbm>>) dst(%arg6 : memref<10240xi32, #tpu.memory_space<vmem>>)
    %iota3A = tpu.iota {dimensions = array<i32: 0>} : vector<16xi32>
    %scan3A = arith.constant 0 : i32
    %scan3A_35 = arith.constant 0 : i32
    %scan3A_36 = arith.constant 16 : i32
    %scan3A_37 = arith.addi %scan3A_35, %scan3A_36 : i32
    %scan3A_38 = arith.constant 1 : i32
    scf.for %scan3A_70 = %scan3A_35 to %scan3A_37 step %scan3A_38  : i32 {
      %mul3A_71 = arith.constant 2 : i32
      %mul3A_72 = arith.muli %scan3A_70, %mul3A_71 : i32
      %add3A_73 = arith.constant 0 : i32
      %add3A_74 = arith.addi %mul3A_72, %add3A_73 : i32
      %gt3A = arith.constant 0 : i32
      %gt3A_75 = arith.cmpi sgt, %scan3A_70, %gt3A : i32
      %convert_element_type3A = arith.extui %gt3A_75 : i1 to i32
      %cond3A = arith.constant 0 : i32
      %cond3A_76 = arith.cmpi ne, %convert_element_type3A, %cond3A : i32
      scf.if %cond3A_76 {
        %sub3A_133 = arith.constant 2 : i32
        %sub3A_134 = arith.subi %add3A_74, %sub3A_133 : i32
        %mul3A_135 = arith.constant 16 : i32
        %mul3A_136 = arith.muli %sub3A_134, %mul3A_135 : i32
        %add3A_137 = arith.addi %mul3A_20, %mul3A_136 : i32
        %dma_wait3A_138 = arith.constant 0 : i32
        %dma_wait3A_139 = arith.constant 0 : i32
        %dma_wait3A_140 = arith.constant 0 : i32
        %dma_wait3A_141 = tpu.memref_slice %arg7[%dma_wait3A_138, %dma_wait3A_139, %dma_wait3A_140] : memref<2x16x320xf32, #tpu.memory_space<vmem>> -> memref<1x16x320xf32, #tpu.memory_space<vmem>>
        %dma_wait3A_142 = tpu.memref_squeeze %dma_wait3A_141 : memref<1x16x320xf32, #tpu.memory_space<vmem>> -> memref<16x320xf32, #tpu.memory_space<vmem>>
        %dma_wait3A_143 = arith.constant 0 : i32
        %dma_wait3A_144 = tpu.memref_slice %arg4[%add3A_137, %dma_wait3A_143] : memref<16384x320xf32, #tpu.memory_space<hbm>> -> memref<16x320xf32, #tpu.memory_space<hbm>>
        %dma_wait3A_145 = arith.constant 0 : i32
        %dma_wait3A_146 = tpu.memref_slice %arg4[%add3A_137, %dma_wait3A_145] : memref<16384x320xf32, #tpu.memory_space<hbm>> -> memref<16x320xf32, #tpu.memory_space<hbm>>
        %dma_wait3A_147 = arith.constant 0 : i32
        %dma_wait3A_148 = arith.constant 0 : i32
        %dma_wait3A_149 = tpu.memref_slice %arg7[%dma_wait3A_138, %dma_wait3A_147, %dma_wait3A_148] : memref<2x16x320xf32, #tpu.memory_space<vmem>> -> memref<1x16x320xf32, #tpu.memory_space<vmem>>
        %dma_wait3A_150 = tpu.memref_squeeze %dma_wait3A_149 : memref<1x16x320xf32, #tpu.memory_space<vmem>> -> memref<16x320xf32, #tpu.memory_space<vmem>>
        tpu.wait_dma2 semaphore(%arg10 : memref<!tpu.dma_semaphore, #tpu.memory_space<semaphore_mem>>) src(%dma_wait3A_150 : memref<16x320xf32, #tpu.memory_space<vmem>>) dst(%dma_wait3A_146 : memref<16x320xf32, #tpu.memory_space<hbm>>)
      } else {
      }
      %broadcast_in_dim3A = arith.constant 0 : i32
      %broadcast_in_dim3A_77 = vector.broadcast %broadcast_in_dim3A : i32 to vector<16xi32>
      %scan3A_78 = arith.constant 0 : i32
      %scan3A_79 = arith.constant 0 : i32
      %scan3A_80 = arith.constant 20 : i32
      %scan3A_81 = arith.addi %scan3A_79, %scan3A_80 : i32
      %scan3A_82 = arith.constant 1 : i32
      scf.for %scan3A_133 = %scan3A_79 to %scan3A_81 step %scan3A_82  : i32 {
        %mul3A_134 = arith.constant 16 : i32
        %mul3A_135 = arith.muli %scan3A_133, %mul3A_134 : i32
        %add3A_136 = vector.broadcast %mul3A_135 : i32 to vector<16xi32>
        %add3A_137 = arith.addi %add3A_136, %iota3A : vector<16xi32>
        %jit3A_138 = arith.constant 20 : i32
        %div3A_139 = vector.broadcast %jit3A_138 : i32 to vector<16xi32>
        %div3A_140 = arith.divsi %add3A_137, %div3A_139 : vector<16xi32>
        %sign3A_141 = arith.constant 0 : i32
        %sign3A_142 = vector.broadcast %sign3A_141 : i32 to vector<16xi32>
        %sign3A_143 = arith.cmpi sgt, %add3A_137, %sign3A_142 : vector<16xi32>
        %sign3A_144 = arith.extui %sign3A_143 : vector<16xi1> to vector<16xi32>
        %sign3A_145 = arith.constant 0 : i32
        %sign3A_146 = vector.broadcast %sign3A_145 : i32 to vector<16xi32>
        %sign3A_147 = arith.cmpi slt, %add3A_137, %sign3A_146 : vector<16xi32>
        %sign3A_148 = arith.extui %sign3A_147 : vector<16xi1> to vector<16xi32>
        %sign3A_149 = arith.subi %sign3A_144, %sign3A_148 : vector<16xi32>
        %sign3A_150 = arith.constant 0 : i32
        %sign3A_151 = arith.cmpi sgt, %jit3A_138, %sign3A_150 : i32
        %sign3A_152 = arith.extui %sign3A_151 : i1 to i32
        %sign3A_153 = arith.constant 0 : i32
        %sign3A_154 = arith.cmpi slt, %jit3A_138, %sign3A_153 : i32
        %sign3A_155 = arith.extui %sign3A_154 : i1 to i32
        %sign3A_156 = arith.subi %sign3A_152, %sign3A_155 : i32
        %ne3A_157 = vector.broadcast %sign3A_156 : i32 to vector<16xi32>
        %ne3A_158 = arith.cmpi ne, %sign3A_149, %ne3A_157 : vector<16xi32>
        %rem3A_159 = vector.broadcast %jit3A_138 : i32 to vector<16xi32>
        %rem3A_160 = arith.remsi %add3A_137, %rem3A_159 : vector<16xi32>
        %ne3A_161 = arith.constant 0 : i32
        %ne3A_162 = vector.broadcast %ne3A_161 : i32 to vector<16xi32>
        %ne3A_163 = arith.cmpi ne, %rem3A_160, %ne3A_162 : vector<16xi32>
        %and3A_164 = arith.andi %ne3A_158, %ne3A_163 : vector<16xi1>
        %sub3A_165 = arith.constant 1 : i32
        %sub3A_166 = vector.broadcast %sub3A_165 : i32 to vector<16xi32>
        %sub3A_167 = arith.subi %div3A_140, %sub3A_166 : vector<16xi32>
        %select_n3A_168 = arith.select %and3A_164, %sub3A_167, %div3A_140 : vector<16xi1>, vector<16xi32>
        %jit3A_169 = arith.constant 20 : i32
        %eq3A = arith.constant 0 : i32
        %eq3A_170 = arith.cmpi eq, %jit3A_169, %eq3A : i32
        %jit3A_171 = arith.constant 1 : i32
        %select_n3A_172 = arith.select %eq3A_170, %jit3A_171, %jit3A_169 : i32
        %rem3A_173 = vector.broadcast %select_n3A_172 : i32 to vector<16xi32>
        %rem3A_174 = arith.remsi %add3A_137, %rem3A_173 : vector<16xi32>
        %ne3A_175 = arith.constant 0 : i32
        %ne3A_176 = vector.broadcast %ne3A_175 : i32 to vector<16xi32>
        %ne3A_177 = arith.cmpi ne, %rem3A_174, %ne3A_176 : vector<16xi32>
        %lt3A = arith.constant 0 : i32
        %lt3A_178 = vector.broadcast %lt3A : i32 to vector<16xi32>
        %lt3A_179 = arith.cmpi slt, %rem3A_174, %lt3A_178 : vector<16xi32>
        %lt3A_180 = arith.constant 0 : i32
        %lt3A_181 = arith.cmpi slt, %select_n3A_172, %lt3A_180 : i32
        %ne3A_182 = vector.broadcast %lt3A_181 : i1 to vector<16xi1>
        %ne3A_183 = vector.broadcast %ne3A_182 : vector<16xi1> to vector<16xi1>
        %ne3A_184 = arith.xori %lt3A_179, %ne3A_183 : vector<16xi1>
        %and3A_185 = arith.andi %ne3A_184, %ne3A_177 : vector<16xi1>
        %add3A_186 = vector.broadcast %select_n3A_172 : i32 to vector<16xi32>
        %add3A_187 = arith.addi %rem3A_174, %add3A_186 : vector<16xi32>
        %select_n3A_188 = arith.select %and3A_185, %add3A_187, %rem3A_174 : vector<16xi1>, vector<16xi32>
        %mul3A_189 = arith.constant 16 : i32
        %mul3A_190 = vector.broadcast %mul3A_189 : i32 to vector<16xi32>
        %mul3A_191 = arith.muli %select_n3A_188, %mul3A_190 : vector<16xi32>
        %mul3A_192 = arith.constant 320 : i32
        %mul3A_193 = arith.muli %add3A_74, %mul3A_192 : i32
        %mul3A_194 = arith.constant 16 : i32
        %mul3A_195 = arith.muli %scan3A_133, %mul3A_194 : i32
        %add3A_196 = arith.addi %mul3A_193, %mul3A_195 : i32
        %get3A = arith.index_cast %add3A_196 : i32 to index
        %get3A_197 = tpu.vector_load %arg6[%get3A] {strides = array<i32>} : memref<10240xi32, #tpu.memory_space<vmem>>, vector<16xi32>,
        %broadcast_in_dim3A_198 = arith.constant 0 : i32
        %broadcast_in_dim3A_199 = vector.broadcast %broadcast_in_dim3A_198 : i32 to vector<16xi32>
        %gather3A = tpu.vector_load_idx %arg5[%broadcast_in_dim3A_199, %get3A_197] : memref<16x2048xf32, #tpu.memory_space<vmem>>[vector<16xi32>, vector<16xi32>], vector<16xf32>,
        %add3A_200 = arith.constant 0 : i32
        %add3A_201 = vector.broadcast %add3A_200 : i32 to vector<16xi32>
        %add3A_202 = arith.addi %mul3A_191, %add3A_201 : vector<16xi32>
        tpu.vector_store_idx %arg7[%broadcast_in_dim3A_77, %select_n3A_168, %add3A_202], %gather3A : memref<2x16x320xf32, #tpu.memory_space<vmem>>[vector<16xi32>, vector<16xi32>, vector<16xi32>], vector<16xf32>,
        %broadcast_in_dim3A_203 = arith.constant 1 : i32
        %broadcast_in_dim3A_204 = vector.broadcast %broadcast_in_dim3A_203 : i32 to vector<16xi32>
        %gather3A_205 = tpu.vector_load_idx %arg5[%broadcast_in_dim3A_204, %get3A_197] : memref<16x2048xf32, #tpu.memory_space<vmem>>[vector<16xi32>, vector<16xi32>], vector<16xf32>,
        %add3A_206 = arith.constant 1 : i32
        %add3A_207 = vector.broadcast %add3A_206 : i32 to vector<16xi32>
        %add3A_208 = arith.addi %mul3A_191, %add3A_207 : vector<16xi32>
        tpu.vector_store_idx %arg7[%broadcast_in_dim3A_77, %select_n3A_168, %add3A_208], %gather3A_205 : memref<2x16x320xf32, #tpu.memory_space<vmem>>[vector<16xi32>, vector<16xi32>, vector<16xi32>], vector<16xf32>,
        %broadcast_in_dim3A_209 = arith.constant 2 : i32
        %broadcast_in_dim3A_210 = vector.broadcast %broadcast_in_dim3A_209 : i32 to vector<16xi32>
        %gather3A_211 = tpu.vector_load_idx %arg5[%broadcast_in_dim3A_210, %get3A_197] : memref<16x2048xf32, #tpu.memory_space<vmem>>[vector<16xi32>, vector<16xi32>], vector<16xf32>,
        %add3A_212 = arith.constant 2 : i32
        %add3A_213 = vector.broadcast %add3A_212 : i32 to vector<16xi32>
        %add3A_214 = arith.addi %mul3A_191, %add3A_213 : vector<16xi32>
        tpu.vector_store_idx %arg7[%broadcast_in_dim3A_77, %select_n3A_168, %add3A_214], %gather3A_211 : memref<2x16x320xf32, #tpu.memory_space<vmem>>[vector<16xi32>, vector<16xi32>, vector<16xi32>], vector<16xf32>,
        %broadcast_in_dim3A_215 = arith.constant 3 : i32
        %broadcast_in_dim3A_216 = vector.broadcast %broadcast_in_dim3A_215 : i32 to vector<16xi32>
        %gather3A_217 = tpu.vector_load_idx %arg5[%broadcast_in_dim3A_216, %get3A_197] : memref<16x2048xf32, #tpu.memory_space<vmem>>[vector<16xi32>, vector<16xi32>], vector<16xf32>,
        %add3A_218 = arith.constant 3 : i32
        %add3A_219 = vector.broadcast %add3A_218 : i32 to vector<16xi32>
        %add3A_220 = arith.addi %mul3A_191, %add3A_219 : vector<16xi32>
        tpu.vector_store_idx %arg7[%broadcast_in_dim3A_77, %select_n3A_168, %add3A_220], %gather3A_217 : memref<2x16x320xf32, #tpu.memory_space<vmem>>[vector<16xi32>, vector<16xi32>, vector<16xi32>], vector<16xf32>,
        %broadcast_in_dim3A_221 = arith.constant 4 : i32
        %broadcast_in_dim3A_222 = vector.broadcast %broadcast_in_dim3A_221 : i32 to vector<16xi32>
        %gather3A_223 = tpu.vector_load_idx %arg5[%broadcast_in_dim3A_222, %get3A_197] : memref<16x2048xf32, #tpu.memory_space<vmem>>[vector<16xi32>, vector<16xi32>], vector<16xf32>,
        %add3A_224 = arith.constant 4 : i32
        %add3A_225 = vector.broadcast %add3A_224 : i32 to vector<16xi32>
        %add3A_226 = arith.addi %mul3A_191, %add3A_225 : vector<16xi32>
        tpu.vector_store_idx %arg7[%broadcast_in_dim3A_77, %select_n3A_168, %add3A_226], %gather3A_223 : memref<2x16x320xf32, #tpu.memory_space<vmem>>[vector<16xi32>, vector<16xi32>, vector<16xi32>], vector<16xf32>,
        %broadcast_in_dim3A_227 = arith.constant 5 : i32
        %broadcast_in_dim3A_228 = vector.broadcast %broadcast_in_dim3A_227 : i32 to vector<16xi32>
        %gather3A_229 = tpu.vector_load_idx %arg5[%broadcast_in_dim3A_228, %get3A_197] : memref<16x2048xf32, #tpu.memory_space<vmem>>[vector<16xi32>, vector<16xi32>], vector<16xf32>,
        %add3A_230 = arith.constant 5 : i32
        %add3A_231 = vector.broadcast %add3A_230 : i32 to vector<16xi32>
        %add3A_232 = arith.addi %mul3A_191, %add3A_231 : vector<16xi32>
        tpu.vector_store_idx %arg7[%broadcast_in_dim3A_77, %select_n3A_168, %add3A_232], %gather3A_229 : memref<2x16x320xf32, #tpu.memory_space<vmem>>[vector<16xi32>, vector<16xi32>, vector<16xi32>], vector<16xf32>,
        %broadcast_in_dim3A_233 = arith.constant 6 : i32
        %broadcast_in_dim3A_234 = vector.broadcast %broadcast_in_dim3A_233 : i32 to vector<16xi32>
        %gather3A_235 = tpu.vector_load_idx %arg5[%broadcast_in_dim3A_234, %get3A_197] : memref<16x2048xf32, #tpu.memory_space<vmem>>[vector<16xi32>, vector<16xi32>], vector<16xf32>,
        %add3A_236 = arith.constant 6 : i32
        %add3A_237 = vector.broadcast %add3A_236 : i32 to vector<16xi32>
        %add3A_238 = arith.addi %mul3A_191, %add3A_237 : vector<16xi32>
        tpu.vector_store_idx %arg7[%broadcast_in_dim3A_77, %select_n3A_168, %add3A_238], %gather3A_235 : memref<2x16x320xf32, #tpu.memory_space<vmem>>[vector<16xi32>, vector<16xi32>, vector<16xi32>], vector<16xf32>,
        %broadcast_in_dim3A_239 = arith.constant 7 : i32
        %broadcast_in_dim3A_240 = vector.broadcast %broadcast_in_dim3A_239 : i32 to vector<16xi32>
        %gather3A_241 = tpu.vector_load_idx %arg5[%broadcast_in_dim3A_240, %get3A_197] : memref<16x2048xf32, #tpu.memory_space<vmem>>[vector<16xi32>, vector<16xi32>], vector<16xf32>,
        %add3A_242 = arith.constant 7 : i32
        %add3A_243 = vector.broadcast %add3A_242 : i32 to vector<16xi32>
        %add3A_244 = arith.addi %mul3A_191, %add3A_243 : vector<16xi32>
        tpu.vector_store_idx %arg7[%broadcast_in_dim3A_77, %select_n3A_168, %add3A_244], %gather3A_241 : memref<2x16x320xf32, #tpu.memory_space<vmem>>[vector<16xi32>, vector<16xi32>, vector<16xi32>], vector<16xf32>,
        %broadcast_in_dim3A_245 = arith.constant 8 : i32
        %broadcast_in_dim3A_246 = vector.broadcast %broadcast_in_dim3A_245 : i32 to vector<16xi32>
        %gather3A_247 = tpu.vector_load_idx %arg5[%broadcast_in_dim3A_246, %get3A_197] : memref<16x2048xf32, #tpu.memory_space<vmem>>[vector<16xi32>, vector<16xi32>], vector<16xf32>,
        %add3A_248 = arith.constant 8 : i32
        %add3A_249 = vector.broadcast %add3A_248 : i32 to vector<16xi32>
        %add3A_250 = arith.addi %mul3A_191, %add3A_249 : vector<16xi32>
        tpu.vector_store_idx %arg7[%broadcast_in_dim3A_77, %select_n3A_168, %add3A_250], %gather3A_247 : memref<2x16x320xf32, #tpu.memory_space<vmem>>[vector<16xi32>, vector<16xi32>, vector<16xi32>], vector<16xf32>,
        %broadcast_in_dim3A_251 = arith.constant 9 : i32
        %broadcast_in_dim3A_252 = vector.broadcast %broadcast_in_dim3A_251 : i32 to vector<16xi32>
        %gather3A_253 = tpu.vector_load_idx %arg5[%broadcast_in_dim3A_252, %get3A_197] : memref<16x2048xf32, #tpu.memory_space<vmem>>[vector<16xi32>, vector<16xi32>], vector<16xf32>,
        %add3A_254 = arith.constant 9 : i32
        %add3A_255 = vector.broadcast %add3A_254 : i32 to vector<16xi32>
        %add3A_256 = arith.addi %mul3A_191, %add3A_255 : vector<16xi32>
        tpu.vector_store_idx %arg7[%broadcast_in_dim3A_77, %select_n3A_168, %add3A_256], %gather3A_253 : memref<2x16x320xf32, #tpu.memory_space<vmem>>[vector<16xi32>, vector<16xi32>, vector<16xi32>], vector<16xf32>,
        %broadcast_in_dim3A_257 = arith.constant 10 : i32
        %broadcast_in_dim3A_258 = vector.broadcast %broadcast_in_dim3A_257 : i32 to vector<16xi32>
        %gather3A_259 = tpu.vector_load_idx %arg5[%broadcast_in_dim3A_258, %get3A_197] : memref<16x2048xf32, #tpu.memory_space<vmem>>[vector<16xi32>, vector<16xi32>], vector<16xf32>,
        %add3A_260 = arith.constant 10 : i32
        %add3A_261 = vector.broadcast %add3A_260 : i32 to vector<16xi32>
        %add3A_262 = arith.addi %mul3A_191, %add3A_261 : vector<16xi32>
        tpu.vector_store_idx %arg7[%broadcast_in_dim3A_77, %select_n3A_168, %add3A_262], %gather3A_259 : memref<2x16x320xf32, #tpu.memory_space<vmem>>[vector<16xi32>, vector<16xi32>, vector<16xi32>], vector<16xf32>,
        %broadcast_in_dim3A_263 = arith.constant 11 : i32
        %broadcast_in_dim3A_264 = vector.broadcast %broadcast_in_dim3A_263 : i32 to vector<16xi32>
        %gather3A_265 = tpu.vector_load_idx %arg5[%broadcast_in_dim3A_264, %get3A_197] : memref<16x2048xf32, #tpu.memory_space<vmem>>[vector<16xi32>, vector<16xi32>], vector<16xf32>,
        %add3A_266 = arith.constant 11 : i32
        %add3A_267 = vector.broadcast %add3A_266 : i32 to vector<16xi32>
        %add3A_268 = arith.addi %mul3A_191, %add3A_267 : vector<16xi32>
        tpu.vector_store_idx %arg7[%broadcast_in_dim3A_77, %select_n3A_168, %add3A_268], %gather3A_265 : memref<2x16x320xf32, #tpu.memory_space<vmem>>[vector<16xi32>, vector<16xi32>, vector<16xi32>], vector<16xf32>,
        %broadcast_in_dim3A_269 = arith.constant 12 : i32
        %broadcast_in_dim3A_270 = vector.broadcast %broadcast_in_dim3A_269 : i32 to vector<16xi32>
        %gather3A_271 = tpu.vector_load_idx %arg5[%broadcast_in_dim3A_270, %get3A_197] : memref<16x2048xf32, #tpu.memory_space<vmem>>[vector<16xi32>, vector<16xi32>], vector<16xf32>,
        %add3A_272 = arith.constant 12 : i32
        %add3A_273 = vector.broadcast %add3A_272 : i32 to vector<16xi32>
        %add3A_274 = arith.addi %mul3A_191, %add3A_273 : vector<16xi32>
        tpu.vector_store_idx %arg7[%broadcast_in_dim3A_77, %select_n3A_168, %add3A_274], %gather3A_271 : memref<2x16x320xf32, #tpu.memory_space<vmem>>[vector<16xi32>, vector<16xi32>, vector<16xi32>], vector<16xf32>,
        %broadcast_in_dim3A_275 = arith.constant 13 : i32
        %broadcast_in_dim3A_276 = vector.broadcast %broadcast_in_dim3A_275 : i32 to vector<16xi32>
        %gather3A_277 = tpu.vector_load_idx %arg5[%broadcast_in_dim3A_276, %get3A_197] : memref<16x2048xf32, #tpu.memory_space<vmem>>[vector<16xi32>, vector<16xi32>], vector<16xf32>,
        %add3A_278 = arith.constant 13 : i32
        %add3A_279 = vector.broadcast %add3A_278 : i32 to vector<16xi32>
        %add3A_280 = arith.addi %mul3A_191, %add3A_279 : vector<16xi32>
        tpu.vector_store_idx %arg7[%broadcast_in_dim3A_77, %select_n3A_168, %add3A_280], %gather3A_277 : memref<2x16x320xf32, #tpu.memory_space<vmem>>[vector<16xi32>, vector<16xi32>, vector<16xi32>], vector<16xf32>,
        %broadcast_in_dim3A_281 = arith.constant 14 : i32
        %broadcast_in_dim3A_282 = vector.broadcast %broadcast_in_dim3A_281 : i32 to vector<16xi32>
        %gather3A_283 = tpu.vector_load_idx %arg5[%broadcast_in_dim3A_282, %get3A_197] : memref<16x2048xf32, #tpu.memory_space<vmem>>[vector<16xi32>, vector<16xi32>], vector<16xf32>,
        %add3A_284 = arith.constant 14 : i32
        %add3A_285 = vector.broadcast %add3A_284 : i32 to vector<16xi32>
        %add3A_286 = arith.addi %mul3A_191, %add3A_285 : vector<16xi32>
        tpu.vector_store_idx %arg7[%broadcast_in_dim3A_77, %select_n3A_168, %add3A_286], %gather3A_283 : memref<2x16x320xf32, #tpu.memory_space<vmem>>[vector<16xi32>, vector<16xi32>, vector<16xi32>], vector<16xf32>,
        %broadcast_in_dim3A_287 = arith.constant 15 : i32
        %broadcast_in_dim3A_288 = vector.broadcast %broadcast_in_dim3A_287 : i32 to vector<16xi32>
        %gather3A_289 = tpu.vector_load_idx %arg5[%broadcast_in_dim3A_288, %get3A_197] : memref<16x2048xf32, #tpu.memory_space<vmem>>[vector<16xi32>, vector<16xi32>], vector<16xf32>,
        %add3A_290 = arith.constant 15 : i32
        %add3A_291 = vector.broadcast %add3A_290 : i32 to vector<16xi32>
        %add3A_292 = arith.addi %mul3A_191, %add3A_291 : vector<16xi32>
        tpu.vector_store_idx %arg7[%broadcast_in_dim3A_77, %select_n3A_168, %add3A_292], %gather3A_289 : memref<2x16x320xf32, #tpu.memory_space<vmem>>[vector<16xi32>, vector<16xi32>, vector<16xi32>], vector<16xf32>,
      }
      %scan3A_83 = arith.constant 20 : i32
      %mul3A_84 = arith.constant 16 : i32
      %mul3A_85 = arith.muli %add3A_74, %mul3A_84 : i32
      %add3A_86 = arith.addi %mul3A_20, %mul3A_85 : i32
      %dma_start3A_87 = arith.constant 0 : i32
      %dma_start3A_88 = arith.constant 0 : i32
      %dma_start3A_89 = arith.constant 0 : i32
      %dma_start3A_90 = tpu.memref_slice %arg7[%dma_start3A_87, %dma_start3A_88, %dma_start3A_89] : memref<2x16x320xf32, #tpu.memory_space<vmem>> -> memref<1x16x320xf32, #tpu.memory_space<vmem>>
      %dma_start3A_91 = tpu.memref_squeeze %dma_start3A_90 : memref<1x16x320xf32, #tpu.memory_space<vmem>> -> memref<16x320xf32, #tpu.memory_space<vmem>>
      %dma_start3A_92 = arith.constant 0 : i32
      %dma_start3A_93 = tpu.memref_slice %arg4[%add3A_86, %dma_start3A_92] : memref<16384x320xf32, #tpu.memory_space<hbm>> -> memref<16x320xf32, #tpu.memory_space<hbm>>
      %dma_start3A_94 = arith.constant 0 : i32
      %dma_start3A_95 = tpu.memref_slice %arg4[%add3A_86, %dma_start3A_94] : memref<16384x320xf32, #tpu.memory_space<hbm>> -> memref<16x320xf32, #tpu.memory_space<hbm>>
      %dma_start3A_96 = arith.constant 0 : i32
      %dma_start3A_97 = arith.constant 0 : i32
      %dma_start3A_98 = tpu.memref_slice %arg7[%dma_start3A_87, %dma_start3A_96, %dma_start3A_97] : memref<2x16x320xf32, #tpu.memory_space<vmem>> -> memref<1x16x320xf32, #tpu.memory_space<vmem>>
      %dma_start3A_99 = tpu.memref_squeeze %dma_start3A_98 : memref<1x16x320xf32, #tpu.memory_space<vmem>> -> memref<16x320xf32, #tpu.memory_space<vmem>>
      tpu.enqueue_dma source(%dma_start3A_99 : memref<16x320xf32, #tpu.memory_space<vmem>>) target(%dma_start3A_95 : memref<16x320xf32, #tpu.memory_space<hbm>>) target_semaphore(%arg10 : memref<!tpu.dma_semaphore, #tpu.memory_space<semaphore_mem>>)
      %mul3A_100 = arith.constant 2 : i32
      %mul3A_101 = arith.muli %scan3A_70, %mul3A_100 : i32
      %add3A_102 = arith.constant 1 : i32
      %add3A_103 = arith.addi %mul3A_101, %add3A_102 : i32
      %gt3A_104 = arith.constant 0 : i32
      %gt3A_105 = arith.cmpi sgt, %scan3A_70, %gt3A_104 : i32
      %convert_element_type3A_106 = arith.extui %gt3A_105 : i1 to i32
      %cond3A_107 = arith.constant 0 : i32
      %cond3A_108 = arith.cmpi ne, %convert_element_type3A_106, %cond3A_107 : i32
      scf.if %cond3A_108 {
        %sub3A_133 = arith.constant 2 : i32
        %sub3A_134 = arith.subi %add3A_103, %sub3A_133 : i32
        %mul3A_135 = arith.constant 16 : i32
        %mul3A_136 = arith.muli %sub3A_134, %mul3A_135 : i32
        %add3A_137 = arith.addi %mul3A_20, %mul3A_136 : i32
        %dma_wait3A_138 = arith.constant 1 : i32
        %dma_wait3A_139 = arith.constant 0 : i32
        %dma_wait3A_140 = arith.constant 0 : i32
        %dma_wait3A_141 = tpu.memref_slice %arg7[%dma_wait3A_138, %dma_wait3A_139, %dma_wait3A_140] : memref<2x16x320xf32, #tpu.memory_space<vmem>> -> memref<1x16x320xf32, #tpu.memory_space<vmem>>
        %dma_wait3A_142 = tpu.memref_squeeze %dma_wait3A_141 : memref<1x16x320xf32, #tpu.memory_space<vmem>> -> memref<16x320xf32, #tpu.memory_space<vmem>>
        %dma_wait3A_143 = arith.constant 0 : i32
        %dma_wait3A_144 = tpu.memref_slice %arg4[%add3A_137, %dma_wait3A_143] : memref<16384x320xf32, #tpu.memory_space<hbm>> -> memref<16x320xf32, #tpu.memory_space<hbm>>
        %dma_wait3A_145 = arith.constant 0 : i32
        %dma_wait3A_146 = tpu.memref_slice %arg4[%add3A_137, %dma_wait3A_145] : memref<16384x320xf32, #tpu.memory_space<hbm>> -> memref<16x320xf32, #tpu.memory_space<hbm>>
        %dma_wait3A_147 = arith.constant 0 : i32
        %dma_wait3A_148 = arith.constant 0 : i32
        %dma_wait3A_149 = tpu.memref_slice %arg7[%dma_wait3A_138, %dma_wait3A_147, %dma_wait3A_148] : memref<2x16x320xf32, #tpu.memory_space<vmem>> -> memref<1x16x320xf32, #tpu.memory_space<vmem>>
        %dma_wait3A_150 = tpu.memref_squeeze %dma_wait3A_149 : memref<1x16x320xf32, #tpu.memory_space<vmem>> -> memref<16x320xf32, #tpu.memory_space<vmem>>
        tpu.wait_dma2 semaphore(%arg11 : memref<!tpu.dma_semaphore, #tpu.memory_space<semaphore_mem>>) src(%dma_wait3A_150 : memref<16x320xf32, #tpu.memory_space<vmem>>) dst(%dma_wait3A_146 : memref<16x320xf32, #tpu.memory_space<hbm>>)
      } else {
      }
      %broadcast_in_dim3A_109 = arith.constant 1 : i32
      %broadcast_in_dim3A_110 = vector.broadcast %broadcast_in_dim3A_109 : i32 to vector<16xi32>
      %scan3A_111 = arith.constant 0 : i32
      %scan3A_112 = arith.constant 0 : i32
      %scan3A_113 = arith.constant 20 : i32
      %scan3A_114 = arith.addi %scan3A_112, %scan3A_113 : i32
      %scan3A_115 = arith.constant 1 : i32
      scf.for %scan3A_133 = %scan3A_112 to %scan3A_114 step %scan3A_115  : i32 {
        %mul3A_134 = arith.constant 16 : i32
        %mul3A_135 = arith.muli %scan3A_133, %mul3A_134 : i32
        %add3A_136 = vector.broadcast %mul3A_135 : i32 to vector<16xi32>
        %add3A_137 = arith.addi %add3A_136, %iota3A : vector<16xi32>
        %jit3A_138 = arith.constant 20 : i32
        %div3A_139 = vector.broadcast %jit3A_138 : i32 to vector<16xi32>
        %div3A_140 = arith.divsi %add3A_137, %div3A_139 : vector<16xi32>
        %sign3A_141 = arith.constant 0 : i32
        %sign3A_142 = vector.broadcast %sign3A_141 : i32 to vector<16xi32>
        %sign3A_143 = arith.cmpi sgt, %add3A_137, %sign3A_142 : vector<16xi32>
        %sign3A_144 = arith.extui %sign3A_143 : vector<16xi1> to vector<16xi32>
        %sign3A_145 = arith.constant 0 : i32
        %sign3A_146 = vector.broadcast %sign3A_145 : i32 to vector<16xi32>
        %sign3A_147 = arith.cmpi slt, %add3A_137, %sign3A_146 : vector<16xi32>
        %sign3A_148 = arith.extui %sign3A_147 : vector<16xi1> to vector<16xi32>
        %sign3A_149 = arith.subi %sign3A_144, %sign3A_148 : vector<16xi32>
        %sign3A_150 = arith.constant 0 : i32
        %sign3A_151 = arith.cmpi sgt, %jit3A_138, %sign3A_150 : i32
        %sign3A_152 = arith.extui %sign3A_151 : i1 to i32
        %sign3A_153 = arith.constant 0 : i32
        %sign3A_154 = arith.cmpi slt, %jit3A_138, %sign3A_153 : i32
        %sign3A_155 = arith.extui %sign3A_154 : i1 to i32
        %sign3A_156 = arith.subi %sign3A_152, %sign3A_155 : i32
        %ne3A_157 = vector.broadcast %sign3A_156 : i32 to vector<16xi32>
        %ne3A_158 = arith.cmpi ne, %sign3A_149, %ne3A_157 : vector<16xi32>
        %rem3A_159 = vector.broadcast %jit3A_138 : i32 to vector<16xi32>
        %rem3A_160 = arith.remsi %add3A_137, %rem3A_159 : vector<16xi32>
        %ne3A_161 = arith.constant 0 : i32
        %ne3A_162 = vector.broadcast %ne3A_161 : i32 to vector<16xi32>
        %ne3A_163 = arith.cmpi ne, %rem3A_160, %ne3A_162 : vector<16xi32>
        %and3A_164 = arith.andi %ne3A_158, %ne3A_163 : vector<16xi1>
        %sub3A_165 = arith.constant 1 : i32
        %sub3A_166 = vector.broadcast %sub3A_165 : i32 to vector<16xi32>
        %sub3A_167 = arith.subi %div3A_140, %sub3A_166 : vector<16xi32>
        %select_n3A_168 = arith.select %and3A_164, %sub3A_167, %div3A_140 : vector<16xi1>, vector<16xi32>
        %jit3A_169 = arith.constant 20 : i32
        %eq3A = arith.constant 0 : i32
        %eq3A_170 = arith.cmpi eq, %jit3A_169, %eq3A : i32
        %jit3A_171 = arith.constant 1 : i32
        %select_n3A_172 = arith.select %eq3A_170, %jit3A_171, %jit3A_169 : i32
        %rem3A_173 = vector.broadcast %select_n3A_172 : i32 to vector<16xi32>
        %rem3A_174 = arith.remsi %add3A_137, %rem3A_173 : vector<16xi32>
        %ne3A_175 = arith.constant 0 : i32
        %ne3A_176 = vector.broadcast %ne3A_175 : i32 to vector<16xi32>
        %ne3A_177 = arith.cmpi ne, %rem3A_174, %ne3A_176 : vector<16xi32>
        %lt3A = arith.constant 0 : i32
        %lt3A_178 = vector.broadcast %lt3A : i32 to vector<16xi32>
        %lt3A_179 = arith.cmpi slt, %rem3A_174, %lt3A_178 : vector<16xi32>
        %lt3A_180 = arith.constant 0 : i32
        %lt3A_181 = arith.cmpi slt, %select_n3A_172, %lt3A_180 : i32
        %ne3A_182 = vector.broadcast %lt3A_181 : i1 to vector<16xi1>
        %ne3A_183 = vector.broadcast %ne3A_182 : vector<16xi1> to vector<16xi1>
        %ne3A_184 = arith.xori %lt3A_179, %ne3A_183 : vector<16xi1>
        %and3A_185 = arith.andi %ne3A_184, %ne3A_177 : vector<16xi1>
        %add3A_186 = vector.broadcast %select_n3A_172 : i32 to vector<16xi32>
        %add3A_187 = arith.addi %rem3A_174, %add3A_186 : vector<16xi32>
        %select_n3A_188 = arith.select %and3A_185, %add3A_187, %rem3A_174 : vector<16xi1>, vector<16xi32>
        %mul3A_189 = arith.constant 16 : i32
        %mul3A_190 = vector.broadcast %mul3A_189 : i32 to vector<16xi32>
        %mul3A_191 = arith.muli %select_n3A_188, %mul3A_190 : vector<16xi32>
        %mul3A_192 = arith.constant 320 : i32
        %mul3A_193 = arith.muli %add3A_103, %mul3A_192 : i32
        %mul3A_194 = arith.constant 16 : i32
        %mul3A_195 = arith.muli %scan3A_133, %mul3A_194 : i32
        %add3A_196 = arith.addi %mul3A_193, %mul3A_195 : i32
        %get3A = arith.index_cast %add3A_196 : i32 to index
        %get3A_197 = tpu.vector_load %arg6[%get3A] {strides = array<i32>} : memref<10240xi32, #tpu.memory_space<vmem>>, vector<16xi32>,
        %broadcast_in_dim3A_198 = arith.constant 0 : i32
        %broadcast_in_dim3A_199 = vector.broadcast %broadcast_in_dim3A_198 : i32 to vector<16xi32>
        %gather3A = tpu.vector_load_idx %arg5[%broadcast_in_dim3A_199, %get3A_197] : memref<16x2048xf32, #tpu.memory_space<vmem>>[vector<16xi32>, vector<16xi32>], vector<16xf32>,
        %add3A_200 = arith.constant 0 : i32
        %add3A_201 = vector.broadcast %add3A_200 : i32 to vector<16xi32>
        %add3A_202 = arith.addi %mul3A_191, %add3A_201 : vector<16xi32>
        tpu.vector_store_idx %arg7[%broadcast_in_dim3A_110, %select_n3A_168, %add3A_202], %gather3A : memref<2x16x320xf32, #tpu.memory_space<vmem>>[vector<16xi32>, vector<16xi32>, vector<16xi32>], vector<16xf32>,
        %broadcast_in_dim3A_203 = arith.constant 1 : i32
        %broadcast_in_dim3A_204 = vector.broadcast %broadcast_in_dim3A_203 : i32 to vector<16xi32>
        %gather3A_205 = tpu.vector_load_idx %arg5[%broadcast_in_dim3A_204, %get3A_197] : memref<16x2048xf32, #tpu.memory_space<vmem>>[vector<16xi32>, vector<16xi32>], vector<16xf32>,
        %add3A_206 = arith.constant 1 : i32
        %add3A_207 = vector.broadcast %add3A_206 : i32 to vector<16xi32>
        %add3A_208 = arith.addi %mul3A_191, %add3A_207 : vector<16xi32>
        tpu.vector_store_idx %arg7[%broadcast_in_dim3A_110, %select_n3A_168, %add3A_208], %gather3A_205 : memref<2x16x320xf32, #tpu.memory_space<vmem>>[vector<16xi32>, vector<16xi32>, vector<16xi32>], vector<16xf32>,
        %broadcast_in_dim3A_209 = arith.constant 2 : i32
        %broadcast_in_dim3A_210 = vector.broadcast %broadcast_in_dim3A_209 : i32 to vector<16xi32>
        %gather3A_211 = tpu.vector_load_idx %arg5[%broadcast_in_dim3A_210, %get3A_197] : memref<16x2048xf32, #tpu.memory_space<vmem>>[vector<16xi32>, vector<16xi32>], vector<16xf32>,
        %add3A_212 = arith.constant 2 : i32
        %add3A_213 = vector.broadcast %add3A_212 : i32 to vector<16xi32>
        %add3A_214 = arith.addi %mul3A_191, %add3A_213 : vector<16xi32>
        tpu.vector_store_idx %arg7[%broadcast_in_dim3A_110, %select_n3A_168, %add3A_214], %gather3A_211 : memref<2x16x320xf32, #tpu.memory_space<vmem>>[vector<16xi32>, vector<16xi32>, vector<16xi32>], vector<16xf32>,
        %broadcast_in_dim3A_215 = arith.constant 3 : i32
        %broadcast_in_dim3A_216 = vector.broadcast %broadcast_in_dim3A_215 : i32 to vector<16xi32>
        %gather3A_217 = tpu.vector_load_idx %arg5[%broadcast_in_dim3A_216, %get3A_197] : memref<16x2048xf32, #tpu.memory_space<vmem>>[vector<16xi32>, vector<16xi32>], vector<16xf32>,
        %add3A_218 = arith.constant 3 : i32
        %add3A_219 = vector.broadcast %add3A_218 : i32 to vector<16xi32>
        %add3A_220 = arith.addi %mul3A_191, %add3A_219 : vector<16xi32>
        tpu.vector_store_idx %arg7[%broadcast_in_dim3A_110, %select_n3A_168, %add3A_220], %gather3A_217 : memref<2x16x320xf32, #tpu.memory_space<vmem>>[vector<16xi32>, vector<16xi32>, vector<16xi32>], vector<16xf32>,
        %broadcast_in_dim3A_221 = arith.constant 4 : i32
        %broadcast_in_dim3A_222 = vector.broadcast %broadcast_in_dim3A_221 : i32 to vector<16xi32>
        %gather3A_223 = tpu.vector_load_idx %arg5[%broadcast_in_dim3A_222, %get3A_197] : memref<16x2048xf32, #tpu.memory_space<vmem>>[vector<16xi32>, vector<16xi32>], vector<16xf32>,
        %add3A_224 = arith.constant 4 : i32
        %add3A_225 = vector.broadcast %add3A_224 : i32 to vector<16xi32>
        %add3A_226 = arith.addi %mul3A_191, %add3A_225 : vector<16xi32>
        tpu.vector_store_idx %arg7[%broadcast_in_dim3A_110, %select_n3A_168, %add3A_226], %gather3A_223 : memref<2x16x320xf32, #tpu.memory_space<vmem>>[vector<16xi32>, vector<16xi32>, vector<16xi32>], vector<16xf32>,
        %broadcast_in_dim3A_227 = arith.constant 5 : i32
        %broadcast_in_dim3A_228 = vector.broadcast %broadcast_in_dim3A_227 : i32 to vector<16xi32>
        %gather3A_229 = tpu.vector_load_idx %arg5[%broadcast_in_dim3A_228, %get3A_197] : memref<16x2048xf32, #tpu.memory_space<vmem>>[vector<16xi32>, vector<16xi32>], vector<16xf32>,
        %add3A_230 = arith.constant 5 : i32
        %add3A_231 = vector.broadcast %add3A_230 : i32 to vector<16xi32>
        %add3A_232 = arith.addi %mul3A_191, %add3A_231 : vector<16xi32>
        tpu.vector_store_idx %arg7[%broadcast_in_dim3A_110, %select_n3A_168, %add3A_232], %gather3A_229 : memref<2x16x320xf32, #tpu.memory_space<vmem>>[vector<16xi32>, vector<16xi32>, vector<16xi32>], vector<16xf32>,
        %broadcast_in_dim3A_233 = arith.constant 6 : i32
        %broadcast_in_dim3A_234 = vector.broadcast %broadcast_in_dim3A_233 : i32 to vector<16xi32>
        %gather3A_235 = tpu.vector_load_idx %arg5[%broadcast_in_dim3A_234, %get3A_197] : memref<16x2048xf32, #tpu.memory_space<vmem>>[vector<16xi32>, vector<16xi32>], vector<16xf32>,
        %add3A_236 = arith.constant 6 : i32
        %add3A_237 = vector.broadcast %add3A_236 : i32 to vector<16xi32>
        %add3A_238 = arith.addi %mul3A_191, %add3A_237 : vector<16xi32>
        tpu.vector_store_idx %arg7[%broadcast_in_dim3A_110, %select_n3A_168, %add3A_238], %gather3A_235 : memref<2x16x320xf32, #tpu.memory_space<vmem>>[vector<16xi32>, vector<16xi32>, vector<16xi32>], vector<16xf32>,
        %broadcast_in_dim3A_239 = arith.constant 7 : i32
        %broadcast_in_dim3A_240 = vector.broadcast %broadcast_in_dim3A_239 : i32 to vector<16xi32>
        %gather3A_241 = tpu.vector_load_idx %arg5[%broadcast_in_dim3A_240, %get3A_197] : memref<16x2048xf32, #tpu.memory_space<vmem>>[vector<16xi32>, vector<16xi32>], vector<16xf32>,
        %add3A_242 = arith.constant 7 : i32
        %add3A_243 = vector.broadcast %add3A_242 : i32 to vector<16xi32>
        %add3A_244 = arith.addi %mul3A_191, %add3A_243 : vector<16xi32>
        tpu.vector_store_idx %arg7[%broadcast_in_dim3A_110, %select_n3A_168, %add3A_244], %gather3A_241 : memref<2x16x320xf32, #tpu.memory_space<vmem>>[vector<16xi32>, vector<16xi32>, vector<16xi32>], vector<16xf32>,
        %broadcast_in_dim3A_245 = arith.constant 8 : i32
        %broadcast_in_dim3A_246 = vector.broadcast %broadcast_in_dim3A_245 : i32 to vector<16xi32>
        %gather3A_247 = tpu.vector_load_idx %arg5[%broadcast_in_dim3A_246, %get3A_197] : memref<16x2048xf32, #tpu.memory_space<vmem>>[vector<16xi32>, vector<16xi32>], vector<16xf32>,
        %add3A_248 = arith.constant 8 : i32
        %add3A_249 = vector.broadcast %add3A_248 : i32 to vector<16xi32>
        %add3A_250 = arith.addi %mul3A_191, %add3A_249 : vector<16xi32>
        tpu.vector_store_idx %arg7[%broadcast_in_dim3A_110, %select_n3A_168, %add3A_250], %gather3A_247 : memref<2x16x320xf32, #tpu.memory_space<vmem>>[vector<16xi32>, vector<16xi32>, vector<16xi32>], vector<16xf32>,
        %broadcast_in_dim3A_251 = arith.constant 9 : i32
        %broadcast_in_dim3A_252 = vector.broadcast %broadcast_in_dim3A_251 : i32 to vector<16xi32>
        %gather3A_253 = tpu.vector_load_idx %arg5[%broadcast_in_dim3A_252, %get3A_197] : memref<16x2048xf32, #tpu.memory_space<vmem>>[vector<16xi32>, vector<16xi32>], vector<16xf32>,
        %add3A_254 = arith.constant 9 : i32
        %add3A_255 = vector.broadcast %add3A_254 : i32 to vector<16xi32>
        %add3A_256 = arith.addi %mul3A_191, %add3A_255 : vector<16xi32>
        tpu.vector_store_idx %arg7[%broadcast_in_dim3A_110, %select_n3A_168, %add3A_256], %gather3A_253 : memref<2x16x320xf32, #tpu.memory_space<vmem>>[vector<16xi32>, vector<16xi32>, vector<16xi32>], vector<16xf32>,
        %broadcast_in_dim3A_257 = arith.constant 10 : i32
        %broadcast_in_dim3A_258 = vector.broadcast %broadcast_in_dim3A_257 : i32 to vector<16xi32>
        %gather3A_259 = tpu.vector_load_idx %arg5[%broadcast_in_dim3A_258, %get3A_197] : memref<16x2048xf32, #tpu.memory_space<vmem>>[vector<16xi32>, vector<16xi32>], vector<16xf32>,
        %add3A_260 = arith.constant 10 : i32
        %add3A_261 = vector.broadcast %add3A_260 : i32 to vector<16xi32>
        %add3A_262 = arith.addi %mul3A_191, %add3A_261 : vector<16xi32>
        tpu.vector_store_idx %arg7[%broadcast_in_dim3A_110, %select_n3A_168, %add3A_262], %gather3A_259 : memref<2x16x320xf32, #tpu.memory_space<vmem>>[vector<16xi32>, vector<16xi32>, vector<16xi32>], vector<16xf32>,
        %broadcast_in_dim3A_263 = arith.constant 11 : i32
        %broadcast_in_dim3A_264 = vector.broadcast %broadcast_in_dim3A_263 : i32 to vector<16xi32>
        %gather3A_265 = tpu.vector_load_idx %arg5[%broadcast_in_dim3A_264, %get3A_197] : memref<16x2048xf32, #tpu.memory_space<vmem>>[vector<16xi32>, vector<16xi32>], vector<16xf32>,
        %add3A_266 = arith.constant 11 : i32
        %add3A_267 = vector.broadcast %add3A_266 : i32 to vector<16xi32>
        %add3A_268 = arith.addi %mul3A_191, %add3A_267 : vector<16xi32>
        tpu.vector_store_idx %arg7[%broadcast_in_dim3A_110, %select_n3A_168, %add3A_268], %gather3A_265 : memref<2x16x320xf32, #tpu.memory_space<vmem>>[vector<16xi32>, vector<16xi32>, vector<16xi32>], vector<16xf32>,
        %broadcast_in_dim3A_269 = arith.constant 12 : i32
        %broadcast_in_dim3A_270 = vector.broadcast %broadcast_in_dim3A_269 : i32 to vector<16xi32>
        %gather3A_271 = tpu.vector_load_idx %arg5[%broadcast_in_dim3A_270, %get3A_197] : memref<16x2048xf32, #tpu.memory_space<vmem>>[vector<16xi32>, vector<16xi32>], vector<16xf32>,
        %add3A_272 = arith.constant 12 : i32
        %add3A_273 = vector.broadcast %add3A_272 : i32 to vector<16xi32>
        %add3A_274 = arith.addi %mul3A_191, %add3A_273 : vector<16xi32>
        tpu.vector_store_idx %arg7[%broadcast_in_dim3A_110, %select_n3A_168, %add3A_274], %gather3A_271 : memref<2x16x320xf32, #tpu.memory_space<vmem>>[vector<16xi32>, vector<16xi32>, vector<16xi32>], vector<16xf32>,
        %broadcast_in_dim3A_275 = arith.constant 13 : i32
        %broadcast_in_dim3A_276 = vector.broadcast %broadcast_in_dim3A_275 : i32 to vector<16xi32>
        %gather3A_277 = tpu.vector_load_idx %arg5[%broadcast_in_dim3A_276, %get3A_197] : memref<16x2048xf32, #tpu.memory_space<vmem>>[vector<16xi32>, vector<16xi32>], vector<16xf32>,
        %add3A_278 = arith.constant 13 : i32
        %add3A_279 = vector.broadcast %add3A_278 : i32 to vector<16xi32>
        %add3A_280 = arith.addi %mul3A_191, %add3A_279 : vector<16xi32>
        tpu.vector_store_idx %arg7[%broadcast_in_dim3A_110, %select_n3A_168, %add3A_280], %gather3A_277 : memref<2x16x320xf32, #tpu.memory_space<vmem>>[vector<16xi32>, vector<16xi32>, vector<16xi32>], vector<16xf32>,
        %broadcast_in_dim3A_281 = arith.constant 14 : i32
        %broadcast_in_dim3A_282 = vector.broadcast %broadcast_in_dim3A_281 : i32 to vector<16xi32>
        %gather3A_283 = tpu.vector_load_idx %arg5[%broadcast_in_dim3A_282, %get3A_197] : memref<16x2048xf32, #tpu.memory_space<vmem>>[vector<16xi32>, vector<16xi32>], vector<16xf32>,
        %add3A_284 = arith.constant 14 : i32
        %add3A_285 = vector.broadcast %add3A_284 : i32 to vector<16xi32>
        %add3A_286 = arith.addi %mul3A_191, %add3A_285 : vector<16xi32>
        tpu.vector_store_idx %arg7[%broadcast_in_dim3A_110, %select_n3A_168, %add3A_286], %gather3A_283 : memref<2x16x320xf32, #tpu.memory_space<vmem>>[vector<16xi32>, vector<16xi32>, vector<16xi32>], vector<16xf32>,
        %broadcast_in_dim3A_287 = arith.constant 15 : i32
        %broadcast_in_dim3A_288 = vector.broadcast %broadcast_in_dim3A_287 : i32 to vector<16xi32>
        %gather3A_289 = tpu.vector_load_idx %arg5[%broadcast_in_dim3A_288, %get3A_197] : memref<16x2048xf32, #tpu.memory_space<vmem>>[vector<16xi32>, vector<16xi32>], vector<16xf32>,
        %add3A_290 = arith.constant 15 : i32
        %add3A_291 = vector.broadcast %add3A_290 : i32 to vector<16xi32>
        %add3A_292 = arith.addi %mul3A_191, %add3A_291 : vector<16xi32>
        tpu.vector_store_idx %arg7[%broadcast_in_dim3A_110, %select_n3A_168, %add3A_292], %gather3A_289 : memref<2x16x320xf32, #tpu.memory_space<vmem>>[vector<16xi32>, vector<16xi32>, vector<16xi32>], vector<16xf32>,
      }
      %scan3A_116 = arith.constant 20 : i32
      %mul3A_117 = arith.constant 16 : i32
      %mul3A_118 = arith.muli %add3A_103, %mul3A_117 : i32
      %add3A_119 = arith.addi %mul3A_20, %mul3A_118 : i32
      %dma_start3A_120 = arith.constant 1 : i32
      %dma_start3A_121 = arith.constant 0 : i32
      %dma_start3A_122 = arith.constant 0 : i32
      %dma_start3A_123 = tpu.memref_slice %arg7[%dma_start3A_120, %dma_start3A_121, %dma_start3A_122] : memref<2x16x320xf32, #tpu.memory_space<vmem>> -> memref<1x16x320xf32, #tpu.memory_space<vmem>>
      %dma_start3A_124 = tpu.memref_squeeze %dma_start3A_123 : memref<1x16x320xf32, #tpu.memory_space<vmem>> -> memref<16x320xf32, #tpu.memory_space<vmem>>
      %dma_start3A_125 = arith.constant 0 : i32
      %dma_start3A_126 = tpu.memref_slice %arg4[%add3A_119, %dma_start3A_125] : memref<16384x320xf32, #tpu.memory_space<hbm>> -> memref<16x320xf32, #tpu.memory_space<hbm>>
      %dma_start3A_127 = arith.constant 0 : i32
      %dma_start3A_128 = tpu.memref_slice %arg4[%add3A_119, %dma_start3A_127] : memref<16384x320xf32, #tpu.memory_space<hbm>> -> memref<16x320xf32, #tpu.memory_space<hbm>>
      %dma_start3A_129 = arith.constant 0 : i32
      %dma_start3A_130 = arith.constant 0 : i32
      %dma_start3A_131 = tpu.memref_slice %arg7[%dma_start3A_120, %dma_start3A_129, %dma_start3A_130] : memref<2x16x320xf32, #tpu.memory_space<vmem>> -> memref<1x16x320xf32, #tpu.memory_space<vmem>>
      %dma_start3A_132 = tpu.memref_squeeze %dma_start3A_131 : memref<1x16x320xf32, #tpu.memory_space<vmem>> -> memref<16x320xf32, #tpu.memory_space<vmem>>
      tpu.enqueue_dma source(%dma_start3A_132 : memref<16x320xf32, #tpu.memory_space<vmem>>) target(%dma_start3A_128 : memref<16x320xf32, #tpu.memory_space<hbm>>) target_semaphore(%arg11 : memref<!tpu.dma_semaphore, #tpu.memory_space<semaphore_mem>>)
    }
    %scan3A_39 = arith.constant 16 : i32
    %add3A_40 = arith.constant 480 : i32
    %add3A_41 = arith.addi %mul3A_20, %add3A_40 : i32
    %dma_wait3A_42 = arith.constant 0 : i32
    %dma_wait3A_43 = arith.constant 0 : i32
    %dma_wait3A_44 = arith.constant 0 : i32
    %dma_wait3A_45 = tpu.memref_slice %arg7[%dma_wait3A_42, %dma_wait3A_43, %dma_wait3A_44] : memref<2x16x320xf32, #tpu.memory_space<vmem>> -> memref<1x16x320xf32, #tpu.memory_space<vmem>>
    %dma_wait3A_46 = tpu.memref_squeeze %dma_wait3A_45 : memref<1x16x320xf32, #tpu.memory_space<vmem>> -> memref<16x320xf32, #tpu.memory_space<vmem>>
    %dma_wait3A_47 = arith.constant 0 : i32
    %dma_wait3A_48 = tpu.memref_slice %arg4[%add3A_41, %dma_wait3A_47] : memref<16384x320xf32, #tpu.memory_space<hbm>> -> memref<16x320xf32, #tpu.memory_space<hbm>>
    %dma_wait3A_49 = arith.constant 0 : i32
    %dma_wait3A_50 = tpu.memref_slice %arg4[%add3A_41, %dma_wait3A_49] : memref<16384x320xf32, #tpu.memory_space<hbm>> -> memref<16x320xf32, #tpu.memory_space<hbm>>
    %dma_wait3A_51 = arith.constant 0 : i32
    %dma_wait3A_52 = arith.constant 0 : i32
    %dma_wait3A_53 = tpu.memref_slice %arg7[%dma_wait3A_42, %dma_wait3A_51, %dma_wait3A_52] : memref<2x16x320xf32, #tpu.memory_space<vmem>> -> memref<1x16x320xf32, #tpu.memory_space<vmem>>
    %dma_wait3A_54 = tpu.memref_squeeze %dma_wait3A_53 : memref<1x16x320xf32, #tpu.memory_space<vmem>> -> memref<16x320xf32, #tpu.memory_space<vmem>>
    tpu.wait_dma2 semaphore(%arg10 : memref<!tpu.dma_semaphore, #tpu.memory_space<semaphore_mem>>) src(%dma_wait3A_54 : memref<16x320xf32, #tpu.memory_space<vmem>>) dst(%dma_wait3A_50 : memref<16x320xf32, #tpu.memory_space<hbm>>)
    %add3A_55 = arith.constant 496 : i32
    %add3A_56 = arith.addi %mul3A_20, %add3A_55 : i32
    %dma_wait3A_57 = arith.constant 1 : i32
    %dma_wait3A_58 = arith.constant 0 : i32
    %dma_wait3A_59 = arith.constant 0 : i32
    %dma_wait3A_60 = tpu.memref_slice %arg7[%dma_wait3A_57, %dma_wait3A_58, %dma_wait3A_59] : memref<2x16x320xf32, #tpu.memory_space<vmem>> -> memref<1x16x320xf32, #tpu.memory_space<vmem>>
    %dma_wait3A_61 = tpu.memref_squeeze %dma_wait3A_60 : memref<1x16x320xf32, #tpu.memory_space<vmem>> -> memref<16x320xf32, #tpu.memory_space<vmem>>
    %dma_wait3A_62 = arith.constant 0 : i32
    %dma_wait3A_63 = tpu.memref_slice %arg4[%add3A_56, %dma_wait3A_62] : memref<16384x320xf32, #tpu.memory_space<hbm>> -> memref<16x320xf32, #tpu.memory_space<hbm>>
    %dma_wait3A_64 = arith.constant 0 : i32
    %dma_wait3A_65 = tpu.memref_slice %arg4[%add3A_56, %dma_wait3A_64] : memref<16384x320xf32, #tpu.memory_space<hbm>> -> memref<16x320xf32, #tpu.memory_space<hbm>>
    %dma_wait3A_66 = arith.constant 0 : i32
    %dma_wait3A_67 = arith.constant 0 : i32
    %dma_wait3A_68 = tpu.memref_slice %arg7[%dma_wait3A_57, %dma_wait3A_66, %dma_wait3A_67] : memref<2x16x320xf32, #tpu.memory_space<vmem>> -> memref<1x16x320xf32, #tpu.memory_space<vmem>>
    %dma_wait3A_69 = tpu.memref_squeeze %dma_wait3A_68 : memref<1x16x320xf32, #tpu.memory_space<vmem>> -> memref<16x320xf32, #tpu.memory_space<vmem>>
    tpu.wait_dma2 semaphore(%arg11 : memref<!tpu.dma_semaphore, #tpu.memory_space<semaphore_mem>>) src(%dma_wait3A_69 : memref<16x320xf32, #tpu.memory_space<vmem>>) dst(%dma_wait3A_65 : memref<16x320xf32, #tpu.memory_space<hbm>>)
    return
  }
}

module attributes {stable_mosaic.version = 14 : i64} {
  func.func @_knn_body(%arg0: i32, %arg1: i32, %arg2: memref<256x3xf32, #tpu.memory_space<vmem>>, %arg3: memref<1x3x2048xf32, #tpu.memory_space<vmem>>, %arg4: memref<3x16xf32, #tpu.memory_space<vmem>>, %arg5: memref<16x3xf32, #tpu.memory_space<vmem>>, %arg6: memref<1x256x20xi32, #tpu.memory_space<vmem>>, %arg7: memref<16x2048xf32, #tpu.memory_space<vmem>>, %arg8: memref<256x16xf32, #tpu.memory_space<vmem>>, %arg9: memref<2x16xf32, #tpu.memory_space<vmem>>) attributes {dimension_semantics = [#tpu.dimension_semantics<arbitrary>, #tpu.dimension_semantics<arbitrary>], iteration_bounds = array<i64: 8, 8>, scalar_prefetch = 0 : i64, scratch_operands = 0 : i64, tpu.core_type = #tpu.core_type<tc>, window_params = [{transform_indices = @transform_0, window_bounds = array<i64: 256, 3>}, {transform_indices = @transform_1, window_bounds = array<i64: 1, 3, 2048>}, {pipeline_mode = #tpu.pipeline_mode<synchronous>, transform_indices = @transform_2, window_bounds = array<i64: 3, 16>}, {pipeline_mode = #tpu.pipeline_mode<synchronous>, transform_indices = @transform_3, window_bounds = array<i64: 16, 3>}, {transform_indices = @transform_4, window_bounds = array<i64: 1, 256, 20>}, {transform_indices = @transform_5, window_bounds = array<i64: 16, 2048>}, {transform_indices = @transform_6, window_bounds = array<i64: 256, 16>}, {pipeline_mode = #tpu.pipeline_mode<synchronous>, transform_indices = @transform_7, window_bounds = array<i64: 2, 16>}]} {
    %get3A = arith.constant 0 : index
    %get3A_0 = arith.constant 0 : index
    %get3A_1 = vector.load %arg2[%get3A, %get3A_0] : memref<256x3xf32, #tpu.memory_space<vmem>>, vector<256x3xf32>
    %get3A_2 = arith.constant 0 : index
    %get3A_3 = arith.constant 0 : index
    %get3A_4 = arith.constant 0 : index
    %get3A_5 = vector.load %arg3[%get3A_2, %get3A_3, %get3A_4] : memref<1x3x2048xf32, #tpu.memory_space<vmem>>, vector<1x3x2048xf32>
    %get3A_6 = vector.shape_cast %get3A_5 : vector<1x3x2048xf32> to vector<3x2048xf32>
    %eq3A = arith.constant 0 : i32
    %eq3A_7 = arith.cmpi eq, %arg1, %eq3A : i32
    %convert_element_type3A = arith.extui %eq3A_7 : i1 to i32
    %cond3A = arith.constant 0 : i32
    %cond3A_8 = arith.cmpi ne, %convert_element_type3A, %cond3A : i32
    scf.if %cond3A_8 {
      %get3A_369 = arith.constant 0 : index
      %get3A_370 = arith.constant 0 : index
      %get3A_371 = vector.load %arg5[%get3A_369, %get3A_370] : memref<16x3xf32, #tpu.memory_space<vmem>>, vector<16x3xf32>
      %dot_general3A_372 = arith.constant dense<0.000000e+00> : vector<16x2048xf32>
      %dot_general3A_373 = tpu.matmul %get3A_371, %get3A_6, %dot_general3A_372 {dimension_numbers = #tpu.dot_dimension_numbers<[1], [0], [0], [1], [0, 0, 1, 1], [], []>, transpose_lhs_hint = false} : vector<16x3xf32>, vector<3x2048xf32>, vector<16x2048xf32> -> vector<16x2048xf32>
      %swap3A_374 = arith.constant 0 : index
      %swap3A_375 = arith.constant 0 : index
      %swap3A_376 = vector.load %arg7[%swap3A_374, %swap3A_375] : memref<16x2048xf32, #tpu.memory_space<vmem>>, vector<16x2048xf32>
      tpu.vector_store %arg7[%swap3A_374, %swap3A_375], %dot_general3A_373 {strides = array<i32>} : memref<16x2048xf32, #tpu.memory_space<vmem>>, vector<16x2048xf32>,
    } else {
    }
    %get3A_9 = arith.constant 0 : index
    %get3A_10 = arith.constant 0 : index
    %get3A_11 = vector.load %arg4[%get3A_9, %get3A_10] : memref<3x16xf32, #tpu.memory_space<vmem>>, vector<3x16xf32>
    %dot_general3A = arith.constant dense<0.000000e+00> : vector<256x16xf32>
    %dot_general3A_12 = tpu.matmul %get3A_1, %get3A_11, %dot_general3A {dimension_numbers = #tpu.dot_dimension_numbers<[1], [0], [0], [1], [0, 0, 1, 1], [], []>, transpose_lhs_hint = false} : vector<256x3xf32>, vector<3x16xf32>, vector<256x16xf32> -> vector<256x16xf32>
    %swap3A = arith.constant 0 : index
    %swap3A_13 = arith.constant 0 : index
    %swap3A_14 = vector.load %arg8[%swap3A, %swap3A_13] : memref<256x16xf32, #tpu.memory_space<vmem>>, vector<256x16xf32>
    tpu.vector_store %arg8[%swap3A, %swap3A_13], %dot_general3A_12 {strides = array<i32>} : memref<256x16xf32, #tpu.memory_space<vmem>>, vector<256x16xf32>,
    %eq3A_15 = arith.constant 0 : i32
    %eq3A_16 = arith.cmpi eq, %arg0, %eq3A_15 : i32
    %eq3A_17 = arith.constant 0 : i32
    %eq3A_18 = arith.cmpi eq, %arg1, %eq3A_17 : i32
    %and3A = arith.andi %eq3A_16, %eq3A_18 : i1
    %convert_element_type3A_19 = arith.extui %and3A : i1 to i32
    %cond3A_20 = arith.constant 0 : i32
    %cond3A_21 = arith.cmpi ne, %convert_element_type3A_19, %cond3A_20 : i32
    scf.if %cond3A_21 {
      %broadcast_in_dim3A_369 = arith.constant 0.000000e+00 : f32
      %broadcast_in_dim3A_370 = vector.broadcast %broadcast_in_dim3A_369 : f32 to vector<2x16xf32>
      %swap3A_371 = arith.constant 0 : index
      %swap3A_372 = arith.constant 0 : index
      %swap3A_373 = vector.load %arg9[%swap3A_371, %swap3A_372] : memref<2x16xf32, #tpu.memory_space<vmem>>, vector<2x16xf32>
      tpu.vector_store %arg9[%swap3A_371, %swap3A_372], %broadcast_in_dim3A_370 {strides = array<i32>} : memref<2x16xf32, #tpu.memory_space<vmem>>, vector<2x16xf32>,
    } else {
    }
    %get3A_22 = arith.constant 0 : index
    %get3A_23 = arith.constant 0 : index
    %get3A_24 = vector.load %arg9[%get3A_22, %get3A_23] : memref<2x16xf32, #tpu.memory_space<vmem>>, vector<2x16xf32>
    %reduce_sum3A = arith.constant dense<0.000000e+00> : vector<16xf32>
    %reduce_sum3A_25 = vector.multi_reduction <add>, %dot_general3A_12, %reduce_sum3A [0] : vector<256x16xf32> to vector<16xf32>
    %broadcast_in_dim3A = vector.shape_cast %reduce_sum3A_25 : vector<16xf32> to vector<1x16xf32>
    %mul3A = arith.mulf %dot_general3A_12, %dot_general3A_12 : vector<256x16xf32>
    %reduce_sum3A_26 = arith.constant dense<0.000000e+00> : vector<16xf32>
    %reduce_sum3A_27 = vector.multi_reduction <add>, %mul3A, %reduce_sum3A_26 [0] : vector<256x16xf32> to vector<16xf32>
    %broadcast_in_dim3A_28 = vector.shape_cast %reduce_sum3A_27 : vector<16xf32> to vector<1x16xf32>
    %concatenate3A = tpu.concatenate %broadcast_in_dim3A, %broadcast_in_dim3A_28 in 0 : vector<1x16xf32>, vector<1x16xf32> -> vector<2x16xf32>
    %add3A = arith.addf %get3A_24, %concatenate3A : vector<2x16xf32>
    %swap3A_29 = arith.constant 0 : index
    %swap3A_30 = arith.constant 0 : index
    %swap3A_31 = vector.load %arg9[%swap3A_29, %swap3A_30] : memref<2x16xf32, #tpu.memory_space<vmem>>, vector<2x16xf32>
    tpu.vector_store %arg9[%swap3A_29, %swap3A_30], %add3A {strides = array<i32>} : memref<2x16xf32, #tpu.memory_space<vmem>>, vector<2x16xf32>,
    %dot_general3A_32 = arith.constant dense<0.000000e+00> : vector<256x2048xf32>
    %dot_general3A_33 = tpu.matmul %get3A_1, %get3A_6, %dot_general3A_32 {dimension_numbers = #tpu.dot_dimension_numbers<[1], [0], [0], [1], [0, 0, 1, 1], [], []>, transpose_lhs_hint = false} : vector<256x3xf32>, vector<3x2048xf32>, vector<256x2048xf32> -> vector<256x2048xf32>
    %mul3A_34 = arith.mulf %get3A_1, %get3A_1 : vector<256x3xf32>
    %reduce_sum3A_35 = arith.constant dense<0.000000e+00> : vector<256xf32>
    %reduce_sum3A_36 = vector.multi_reduction <add>, %mul3A_34, %reduce_sum3A_35 [1] : vector<256x3xf32> to vector<256xf32>
    %broadcast_in_dim3A_37 = vector.shape_cast %reduce_sum3A_36 : vector<256xf32> to vector<256x1xf32>
    %mul3A_38 = arith.mulf %get3A_6, %get3A_6 : vector<3x2048xf32>
    %reduce_sum3A_39 = arith.constant dense<0.000000e+00> : vector<2048xf32>
    %reduce_sum3A_40 = vector.multi_reduction <add>, %mul3A_38, %reduce_sum3A_39 [0] : vector<3x2048xf32> to vector<2048xf32>
    %broadcast_in_dim3A_41 = vector.shape_cast %reduce_sum3A_40 : vector<2048xf32> to vector<1x2048xf32>
    %mul3A_42 = arith.constant 2.000000e+00 : f32
    %mul3A_43 = vector.broadcast %mul3A_42 : f32 to vector<256x2048xf32>
    %mul3A_44 = arith.mulf %mul3A_43, %dot_general3A_33 : vector<256x2048xf32>
    %sub3A = vector.broadcast %broadcast_in_dim3A_37 : vector<256x1xf32> to vector<256x2048xf32>
    %sub3A_45 = arith.subf %mul3A_44, %sub3A : vector<256x2048xf32>
    %sub3A_46 = vector.broadcast %broadcast_in_dim3A_41 : vector<1x2048xf32> to vector<256x2048xf32>
    %sub3A_47 = arith.subf %sub3A_45, %sub3A_46 : vector<256x2048xf32>
    %iota3A = tpu.iota {dimensions = array<i32: 1>} : vector<256x2048xi32>
    %iota3A_48 = tpu.iota {dimensions = array<i32: 1>} : vector<256x20xi32>
    %broadcast_in_dim3A_49 = arith.constant 0 : i32
    %broadcast_in_dim3A_50 = vector.broadcast %broadcast_in_dim3A_49 : i32 to vector<256x20xi32>
    %argmax3A = tpu.reduce_index %sub3A_47 {axis = 1 : i32, kind = #tpu.reduction_kind<arg_max>} : vector<256x2048xf32> -> vector<256xi32>
    %broadcast_in_dim3A_51 = vector.shape_cast %argmax3A : vector<256xi32> to vector<256x1xi32>
    %eq3A_52 = arith.constant 0 : i32
    %eq3A_53 = vector.broadcast %eq3A_52 : i32 to vector<256x20xi32>
    %eq3A_54 = arith.cmpi eq, %iota3A_48, %eq3A_53 : vector<256x20xi32>
    %jit3A = arith.constant 0 : i32
    %broadcast_in_dim3A_55 = vector.shape_cast %broadcast_in_dim3A_51 : vector<256x1xi32> to vector<256x1xi32>
    %broadcast_in_dim3A_56 = vector.broadcast %broadcast_in_dim3A_55 : vector<256x1xi32> to vector<256x20xi32>
    %broadcast_in_dim3A_57 = vector.broadcast %jit3A : i32 to vector<256x20xi32>
    %select_n3A = arith.select %eq3A_54, %broadcast_in_dim3A_56, %broadcast_in_dim3A_57 : vector<256x20xi1>, vector<256x20xi32>
    %add3A_58 = arith.addi %broadcast_in_dim3A_50, %select_n3A : vector<256x20xi32>
    %eq3A_59 = vector.broadcast %broadcast_in_dim3A_51 : vector<256x1xi32> to vector<256x2048xi32>
    %eq3A_60 = arith.cmpi eq, %iota3A, %eq3A_59 : vector<256x2048xi32>
    %jit3A_61 = arith.constant 0xFF800000 : f32
    %broadcast_in_dim3A_62 = vector.broadcast %jit3A_61 : f32 to vector<256x2048xf32>
    %select_n3A_63 = arith.select %eq3A_60, %broadcast_in_dim3A_62, %sub3A_47 : vector<256x2048xi1>, vector<256x2048xf32>
    %argmax3A_64 = tpu.reduce_index %select_n3A_63 {axis = 1 : i32, kind = #tpu.reduction_kind<arg_max>} : vector<256x2048xf32> -> vector<256xi32>
    %broadcast_in_dim3A_65 = vector.shape_cast %argmax3A_64 : vector<256xi32> to vector<256x1xi32>
    %eq3A_66 = arith.constant 1 : i32
    %eq3A_67 = vector.broadcast %eq3A_66 : i32 to vector<256x20xi32>
    %eq3A_68 = arith.cmpi eq, %iota3A_48, %eq3A_67 : vector<256x20xi32>
    %jit3A_69 = arith.constant 0 : i32
    %broadcast_in_dim3A_70 = vector.shape_cast %broadcast_in_dim3A_65 : vector<256x1xi32> to vector<256x1xi32>
    %broadcast_in_dim3A_71 = vector.broadcast %broadcast_in_dim3A_70 : vector<256x1xi32> to vector<256x20xi32>
    %broadcast_in_dim3A_72 = vector.broadcast %jit3A_69 : i32 to vector<256x20xi32>
    %select_n3A_73 = arith.select %eq3A_68, %broadcast_in_dim3A_71, %broadcast_in_dim3A_72 : vector<256x20xi1>, vector<256x20xi32>
    %add3A_74 = arith.addi %add3A_58, %select_n3A_73 : vector<256x20xi32>
    %eq3A_75 = vector.broadcast %broadcast_in_dim3A_65 : vector<256x1xi32> to vector<256x2048xi32>
    %eq3A_76 = arith.cmpi eq, %iota3A, %eq3A_75 : vector<256x2048xi32>
    %jit3A_77 = arith.constant 0xFF800000 : f32
    %broadcast_in_dim3A_78 = vector.broadcast %jit3A_77 : f32 to vector<256x2048xf32>
    %select_n3A_79 = arith.select %eq3A_76, %broadcast_in_dim3A_78, %select_n3A_63 : vector<256x2048xi1>, vector<256x2048xf32>
    %argmax3A_80 = tpu.reduce_index %select_n3A_79 {axis = 1 : i32, kind = #tpu.reduction_kind<arg_max>} : vector<256x2048xf32> -> vector<256xi32>
    %broadcast_in_dim3A_81 = vector.shape_cast %argmax3A_80 : vector<256xi32> to vector<256x1xi32>
    %eq3A_82 = arith.constant 2 : i32
    %eq3A_83 = vector.broadcast %eq3A_82 : i32 to vector<256x20xi32>
    %eq3A_84 = arith.cmpi eq, %iota3A_48, %eq3A_83 : vector<256x20xi32>
    %jit3A_85 = arith.constant 0 : i32
    %broadcast_in_dim3A_86 = vector.shape_cast %broadcast_in_dim3A_81 : vector<256x1xi32> to vector<256x1xi32>
    %broadcast_in_dim3A_87 = vector.broadcast %broadcast_in_dim3A_86 : vector<256x1xi32> to vector<256x20xi32>
    %broadcast_in_dim3A_88 = vector.broadcast %jit3A_85 : i32 to vector<256x20xi32>
    %select_n3A_89 = arith.select %eq3A_84, %broadcast_in_dim3A_87, %broadcast_in_dim3A_88 : vector<256x20xi1>, vector<256x20xi32>
    %add3A_90 = arith.addi %add3A_74, %select_n3A_89 : vector<256x20xi32>
    %eq3A_91 = vector.broadcast %broadcast_in_dim3A_81 : vector<256x1xi32> to vector<256x2048xi32>
    %eq3A_92 = arith.cmpi eq, %iota3A, %eq3A_91 : vector<256x2048xi32>
    %jit3A_93 = arith.constant 0xFF800000 : f32
    %broadcast_in_dim3A_94 = vector.broadcast %jit3A_93 : f32 to vector<256x2048xf32>
    %select_n3A_95 = arith.select %eq3A_92, %broadcast_in_dim3A_94, %select_n3A_79 : vector<256x2048xi1>, vector<256x2048xf32>
    %argmax3A_96 = tpu.reduce_index %select_n3A_95 {axis = 1 : i32, kind = #tpu.reduction_kind<arg_max>} : vector<256x2048xf32> -> vector<256xi32>
    %broadcast_in_dim3A_97 = vector.shape_cast %argmax3A_96 : vector<256xi32> to vector<256x1xi32>
    %eq3A_98 = arith.constant 3 : i32
    %eq3A_99 = vector.broadcast %eq3A_98 : i32 to vector<256x20xi32>
    %eq3A_100 = arith.cmpi eq, %iota3A_48, %eq3A_99 : vector<256x20xi32>
    %jit3A_101 = arith.constant 0 : i32
    %broadcast_in_dim3A_102 = vector.shape_cast %broadcast_in_dim3A_97 : vector<256x1xi32> to vector<256x1xi32>
    %broadcast_in_dim3A_103 = vector.broadcast %broadcast_in_dim3A_102 : vector<256x1xi32> to vector<256x20xi32>
    %broadcast_in_dim3A_104 = vector.broadcast %jit3A_101 : i32 to vector<256x20xi32>
    %select_n3A_105 = arith.select %eq3A_100, %broadcast_in_dim3A_103, %broadcast_in_dim3A_104 : vector<256x20xi1>, vector<256x20xi32>
    %add3A_106 = arith.addi %add3A_90, %select_n3A_105 : vector<256x20xi32>
    %eq3A_107 = vector.broadcast %broadcast_in_dim3A_97 : vector<256x1xi32> to vector<256x2048xi32>
    %eq3A_108 = arith.cmpi eq, %iota3A, %eq3A_107 : vector<256x2048xi32>
    %jit3A_109 = arith.constant 0xFF800000 : f32
    %broadcast_in_dim3A_110 = vector.broadcast %jit3A_109 : f32 to vector<256x2048xf32>
    %select_n3A_111 = arith.select %eq3A_108, %broadcast_in_dim3A_110, %select_n3A_95 : vector<256x2048xi1>, vector<256x2048xf32>
    %argmax3A_112 = tpu.reduce_index %select_n3A_111 {axis = 1 : i32, kind = #tpu.reduction_kind<arg_max>} : vector<256x2048xf32> -> vector<256xi32>
    %broadcast_in_dim3A_113 = vector.shape_cast %argmax3A_112 : vector<256xi32> to vector<256x1xi32>
    %eq3A_114 = arith.constant 4 : i32
    %eq3A_115 = vector.broadcast %eq3A_114 : i32 to vector<256x20xi32>
    %eq3A_116 = arith.cmpi eq, %iota3A_48, %eq3A_115 : vector<256x20xi32>
    %jit3A_117 = arith.constant 0 : i32
    %broadcast_in_dim3A_118 = vector.shape_cast %broadcast_in_dim3A_113 : vector<256x1xi32> to vector<256x1xi32>
    %broadcast_in_dim3A_119 = vector.broadcast %broadcast_in_dim3A_118 : vector<256x1xi32> to vector<256x20xi32>
    %broadcast_in_dim3A_120 = vector.broadcast %jit3A_117 : i32 to vector<256x20xi32>
    %select_n3A_121 = arith.select %eq3A_116, %broadcast_in_dim3A_119, %broadcast_in_dim3A_120 : vector<256x20xi1>, vector<256x20xi32>
    %add3A_122 = arith.addi %add3A_106, %select_n3A_121 : vector<256x20xi32>
    %eq3A_123 = vector.broadcast %broadcast_in_dim3A_113 : vector<256x1xi32> to vector<256x2048xi32>
    %eq3A_124 = arith.cmpi eq, %iota3A, %eq3A_123 : vector<256x2048xi32>
    %jit3A_125 = arith.constant 0xFF800000 : f32
    %broadcast_in_dim3A_126 = vector.broadcast %jit3A_125 : f32 to vector<256x2048xf32>
    %select_n3A_127 = arith.select %eq3A_124, %broadcast_in_dim3A_126, %select_n3A_111 : vector<256x2048xi1>, vector<256x2048xf32>
    %argmax3A_128 = tpu.reduce_index %select_n3A_127 {axis = 1 : i32, kind = #tpu.reduction_kind<arg_max>} : vector<256x2048xf32> -> vector<256xi32>
    %broadcast_in_dim3A_129 = vector.shape_cast %argmax3A_128 : vector<256xi32> to vector<256x1xi32>
    %eq3A_130 = arith.constant 5 : i32
    %eq3A_131 = vector.broadcast %eq3A_130 : i32 to vector<256x20xi32>
    %eq3A_132 = arith.cmpi eq, %iota3A_48, %eq3A_131 : vector<256x20xi32>
    %jit3A_133 = arith.constant 0 : i32
    %broadcast_in_dim3A_134 = vector.shape_cast %broadcast_in_dim3A_129 : vector<256x1xi32> to vector<256x1xi32>
    %broadcast_in_dim3A_135 = vector.broadcast %broadcast_in_dim3A_134 : vector<256x1xi32> to vector<256x20xi32>
    %broadcast_in_dim3A_136 = vector.broadcast %jit3A_133 : i32 to vector<256x20xi32>
    %select_n3A_137 = arith.select %eq3A_132, %broadcast_in_dim3A_135, %broadcast_in_dim3A_136 : vector<256x20xi1>, vector<256x20xi32>
    %add3A_138 = arith.addi %add3A_122, %select_n3A_137 : vector<256x20xi32>
    %eq3A_139 = vector.broadcast %broadcast_in_dim3A_129 : vector<256x1xi32> to vector<256x2048xi32>
    %eq3A_140 = arith.cmpi eq, %iota3A, %eq3A_139 : vector<256x2048xi32>
    %jit3A_141 = arith.constant 0xFF800000 : f32
    %broadcast_in_dim3A_142 = vector.broadcast %jit3A_141 : f32 to vector<256x2048xf32>
    %select_n3A_143 = arith.select %eq3A_140, %broadcast_in_dim3A_142, %select_n3A_127 : vector<256x2048xi1>, vector<256x2048xf32>
    %argmax3A_144 = tpu.reduce_index %select_n3A_143 {axis = 1 : i32, kind = #tpu.reduction_kind<arg_max>} : vector<256x2048xf32> -> vector<256xi32>
    %broadcast_in_dim3A_145 = vector.shape_cast %argmax3A_144 : vector<256xi32> to vector<256x1xi32>
    %eq3A_146 = arith.constant 6 : i32
    %eq3A_147 = vector.broadcast %eq3A_146 : i32 to vector<256x20xi32>
    %eq3A_148 = arith.cmpi eq, %iota3A_48, %eq3A_147 : vector<256x20xi32>
    %jit3A_149 = arith.constant 0 : i32
    %broadcast_in_dim3A_150 = vector.shape_cast %broadcast_in_dim3A_145 : vector<256x1xi32> to vector<256x1xi32>
    %broadcast_in_dim3A_151 = vector.broadcast %broadcast_in_dim3A_150 : vector<256x1xi32> to vector<256x20xi32>
    %broadcast_in_dim3A_152 = vector.broadcast %jit3A_149 : i32 to vector<256x20xi32>
    %select_n3A_153 = arith.select %eq3A_148, %broadcast_in_dim3A_151, %broadcast_in_dim3A_152 : vector<256x20xi1>, vector<256x20xi32>
    %add3A_154 = arith.addi %add3A_138, %select_n3A_153 : vector<256x20xi32>
    %eq3A_155 = vector.broadcast %broadcast_in_dim3A_145 : vector<256x1xi32> to vector<256x2048xi32>
    %eq3A_156 = arith.cmpi eq, %iota3A, %eq3A_155 : vector<256x2048xi32>
    %jit3A_157 = arith.constant 0xFF800000 : f32
    %broadcast_in_dim3A_158 = vector.broadcast %jit3A_157 : f32 to vector<256x2048xf32>
    %select_n3A_159 = arith.select %eq3A_156, %broadcast_in_dim3A_158, %select_n3A_143 : vector<256x2048xi1>, vector<256x2048xf32>
    %argmax3A_160 = tpu.reduce_index %select_n3A_159 {axis = 1 : i32, kind = #tpu.reduction_kind<arg_max>} : vector<256x2048xf32> -> vector<256xi32>
    %broadcast_in_dim3A_161 = vector.shape_cast %argmax3A_160 : vector<256xi32> to vector<256x1xi32>
    %eq3A_162 = arith.constant 7 : i32
    %eq3A_163 = vector.broadcast %eq3A_162 : i32 to vector<256x20xi32>
    %eq3A_164 = arith.cmpi eq, %iota3A_48, %eq3A_163 : vector<256x20xi32>
    %jit3A_165 = arith.constant 0 : i32
    %broadcast_in_dim3A_166 = vector.shape_cast %broadcast_in_dim3A_161 : vector<256x1xi32> to vector<256x1xi32>
    %broadcast_in_dim3A_167 = vector.broadcast %broadcast_in_dim3A_166 : vector<256x1xi32> to vector<256x20xi32>
    %broadcast_in_dim3A_168 = vector.broadcast %jit3A_165 : i32 to vector<256x20xi32>
    %select_n3A_169 = arith.select %eq3A_164, %broadcast_in_dim3A_167, %broadcast_in_dim3A_168 : vector<256x20xi1>, vector<256x20xi32>
    %add3A_170 = arith.addi %add3A_154, %select_n3A_169 : vector<256x20xi32>
    %eq3A_171 = vector.broadcast %broadcast_in_dim3A_161 : vector<256x1xi32> to vector<256x2048xi32>
    %eq3A_172 = arith.cmpi eq, %iota3A, %eq3A_171 : vector<256x2048xi32>
    %jit3A_173 = arith.constant 0xFF800000 : f32
    %broadcast_in_dim3A_174 = vector.broadcast %jit3A_173 : f32 to vector<256x2048xf32>
    %select_n3A_175 = arith.select %eq3A_172, %broadcast_in_dim3A_174, %select_n3A_159 : vector<256x2048xi1>, vector<256x2048xf32>
    %argmax3A_176 = tpu.reduce_index %select_n3A_175 {axis = 1 : i32, kind = #tpu.reduction_kind<arg_max>} : vector<256x2048xf32> -> vector<256xi32>
    %broadcast_in_dim3A_177 = vector.shape_cast %argmax3A_176 : vector<256xi32> to vector<256x1xi32>
    %eq3A_178 = arith.constant 8 : i32
    %eq3A_179 = vector.broadcast %eq3A_178 : i32 to vector<256x20xi32>
    %eq3A_180 = arith.cmpi eq, %iota3A_48, %eq3A_179 : vector<256x20xi32>
    %jit3A_181 = arith.constant 0 : i32
    %broadcast_in_dim3A_182 = vector.shape_cast %broadcast_in_dim3A_177 : vector<256x1xi32> to vector<256x1xi32>
    %broadcast_in_dim3A_183 = vector.broadcast %broadcast_in_dim3A_182 : vector<256x1xi32> to vector<256x20xi32>
    %broadcast_in_dim3A_184 = vector.broadcast %jit3A_181 : i32 to vector<256x20xi32>
    %select_n3A_185 = arith.select %eq3A_180, %broadcast_in_dim3A_183, %broadcast_in_dim3A_184 : vector<256x20xi1>, vector<256x20xi32>
    %add3A_186 = arith.addi %add3A_170, %select_n3A_185 : vector<256x20xi32>
    %eq3A_187 = vector.broadcast %broadcast_in_dim3A_177 : vector<256x1xi32> to vector<256x2048xi32>
    %eq3A_188 = arith.cmpi eq, %iota3A, %eq3A_187 : vector<256x2048xi32>
    %jit3A_189 = arith.constant 0xFF800000 : f32
    %broadcast_in_dim3A_190 = vector.broadcast %jit3A_189 : f32 to vector<256x2048xf32>
    %select_n3A_191 = arith.select %eq3A_188, %broadcast_in_dim3A_190, %select_n3A_175 : vector<256x2048xi1>, vector<256x2048xf32>
    %argmax3A_192 = tpu.reduce_index %select_n3A_191 {axis = 1 : i32, kind = #tpu.reduction_kind<arg_max>} : vector<256x2048xf32> -> vector<256xi32>
    %broadcast_in_dim3A_193 = vector.shape_cast %argmax3A_192 : vector<256xi32> to vector<256x1xi32>
    %eq3A_194 = arith.constant 9 : i32
    %eq3A_195 = vector.broadcast %eq3A_194 : i32 to vector<256x20xi32>
    %eq3A_196 = arith.cmpi eq, %iota3A_48, %eq3A_195 : vector<256x20xi32>
    %jit3A_197 = arith.constant 0 : i32
    %broadcast_in_dim3A_198 = vector.shape_cast %broadcast_in_dim3A_193 : vector<256x1xi32> to vector<256x1xi32>
    %broadcast_in_dim3A_199 = vector.broadcast %broadcast_in_dim3A_198 : vector<256x1xi32> to vector<256x20xi32>
    %broadcast_in_dim3A_200 = vector.broadcast %jit3A_197 : i32 to vector<256x20xi32>
    %select_n3A_201 = arith.select %eq3A_196, %broadcast_in_dim3A_199, %broadcast_in_dim3A_200 : vector<256x20xi1>, vector<256x20xi32>
    %add3A_202 = arith.addi %add3A_186, %select_n3A_201 : vector<256x20xi32>
    %eq3A_203 = vector.broadcast %broadcast_in_dim3A_193 : vector<256x1xi32> to vector<256x2048xi32>
    %eq3A_204 = arith.cmpi eq, %iota3A, %eq3A_203 : vector<256x2048xi32>
    %jit3A_205 = arith.constant 0xFF800000 : f32
    %broadcast_in_dim3A_206 = vector.broadcast %jit3A_205 : f32 to vector<256x2048xf32>
    %select_n3A_207 = arith.select %eq3A_204, %broadcast_in_dim3A_206, %select_n3A_191 : vector<256x2048xi1>, vector<256x2048xf32>
    %argmax3A_208 = tpu.reduce_index %select_n3A_207 {axis = 1 : i32, kind = #tpu.reduction_kind<arg_max>} : vector<256x2048xf32> -> vector<256xi32>
    %broadcast_in_dim3A_209 = vector.shape_cast %argmax3A_208 : vector<256xi32> to vector<256x1xi32>
    %eq3A_210 = arith.constant 10 : i32
    %eq3A_211 = vector.broadcast %eq3A_210 : i32 to vector<256x20xi32>
    %eq3A_212 = arith.cmpi eq, %iota3A_48, %eq3A_211 : vector<256x20xi32>
    %jit3A_213 = arith.constant 0 : i32
    %broadcast_in_dim3A_214 = vector.shape_cast %broadcast_in_dim3A_209 : vector<256x1xi32> to vector<256x1xi32>
    %broadcast_in_dim3A_215 = vector.broadcast %broadcast_in_dim3A_214 : vector<256x1xi32> to vector<256x20xi32>
    %broadcast_in_dim3A_216 = vector.broadcast %jit3A_213 : i32 to vector<256x20xi32>
    %select_n3A_217 = arith.select %eq3A_212, %broadcast_in_dim3A_215, %broadcast_in_dim3A_216 : vector<256x20xi1>, vector<256x20xi32>
    %add3A_218 = arith.addi %add3A_202, %select_n3A_217 : vector<256x20xi32>
    %eq3A_219 = vector.broadcast %broadcast_in_dim3A_209 : vector<256x1xi32> to vector<256x2048xi32>
    %eq3A_220 = arith.cmpi eq, %iota3A, %eq3A_219 : vector<256x2048xi32>
    %jit3A_221 = arith.constant 0xFF800000 : f32
    %broadcast_in_dim3A_222 = vector.broadcast %jit3A_221 : f32 to vector<256x2048xf32>
    %select_n3A_223 = arith.select %eq3A_220, %broadcast_in_dim3A_222, %select_n3A_207 : vector<256x2048xi1>, vector<256x2048xf32>
    %argmax3A_224 = tpu.reduce_index %select_n3A_223 {axis = 1 : i32, kind = #tpu.reduction_kind<arg_max>} : vector<256x2048xf32> -> vector<256xi32>
    %broadcast_in_dim3A_225 = vector.shape_cast %argmax3A_224 : vector<256xi32> to vector<256x1xi32>
    %eq3A_226 = arith.constant 11 : i32
    %eq3A_227 = vector.broadcast %eq3A_226 : i32 to vector<256x20xi32>
    %eq3A_228 = arith.cmpi eq, %iota3A_48, %eq3A_227 : vector<256x20xi32>
    %jit3A_229 = arith.constant 0 : i32
    %broadcast_in_dim3A_230 = vector.shape_cast %broadcast_in_dim3A_225 : vector<256x1xi32> to vector<256x1xi32>
    %broadcast_in_dim3A_231 = vector.broadcast %broadcast_in_dim3A_230 : vector<256x1xi32> to vector<256x20xi32>
    %broadcast_in_dim3A_232 = vector.broadcast %jit3A_229 : i32 to vector<256x20xi32>
    %select_n3A_233 = arith.select %eq3A_228, %broadcast_in_dim3A_231, %broadcast_in_dim3A_232 : vector<256x20xi1>, vector<256x20xi32>
    %add3A_234 = arith.addi %add3A_218, %select_n3A_233 : vector<256x20xi32>
    %eq3A_235 = vector.broadcast %broadcast_in_dim3A_225 : vector<256x1xi32> to vector<256x2048xi32>
    %eq3A_236 = arith.cmpi eq, %iota3A, %eq3A_235 : vector<256x2048xi32>
    %jit3A_237 = arith.constant 0xFF800000 : f32
    %broadcast_in_dim3A_238 = vector.broadcast %jit3A_237 : f32 to vector<256x2048xf32>
    %select_n3A_239 = arith.select %eq3A_236, %broadcast_in_dim3A_238, %select_n3A_223 : vector<256x2048xi1>, vector<256x2048xf32>
    %argmax3A_240 = tpu.reduce_index %select_n3A_239 {axis = 1 : i32, kind = #tpu.reduction_kind<arg_max>} : vector<256x2048xf32> -> vector<256xi32>
    %broadcast_in_dim3A_241 = vector.shape_cast %argmax3A_240 : vector<256xi32> to vector<256x1xi32>
    %eq3A_242 = arith.constant 12 : i32
    %eq3A_243 = vector.broadcast %eq3A_242 : i32 to vector<256x20xi32>
    %eq3A_244 = arith.cmpi eq, %iota3A_48, %eq3A_243 : vector<256x20xi32>
    %jit3A_245 = arith.constant 0 : i32
    %broadcast_in_dim3A_246 = vector.shape_cast %broadcast_in_dim3A_241 : vector<256x1xi32> to vector<256x1xi32>
    %broadcast_in_dim3A_247 = vector.broadcast %broadcast_in_dim3A_246 : vector<256x1xi32> to vector<256x20xi32>
    %broadcast_in_dim3A_248 = vector.broadcast %jit3A_245 : i32 to vector<256x20xi32>
    %select_n3A_249 = arith.select %eq3A_244, %broadcast_in_dim3A_247, %broadcast_in_dim3A_248 : vector<256x20xi1>, vector<256x20xi32>
    %add3A_250 = arith.addi %add3A_234, %select_n3A_249 : vector<256x20xi32>
    %eq3A_251 = vector.broadcast %broadcast_in_dim3A_241 : vector<256x1xi32> to vector<256x2048xi32>
    %eq3A_252 = arith.cmpi eq, %iota3A, %eq3A_251 : vector<256x2048xi32>
    %jit3A_253 = arith.constant 0xFF800000 : f32
    %broadcast_in_dim3A_254 = vector.broadcast %jit3A_253 : f32 to vector<256x2048xf32>
    %select_n3A_255 = arith.select %eq3A_252, %broadcast_in_dim3A_254, %select_n3A_239 : vector<256x2048xi1>, vector<256x2048xf32>
    %argmax3A_256 = tpu.reduce_index %select_n3A_255 {axis = 1 : i32, kind = #tpu.reduction_kind<arg_max>} : vector<256x2048xf32> -> vector<256xi32>
    %broadcast_in_dim3A_257 = vector.shape_cast %argmax3A_256 : vector<256xi32> to vector<256x1xi32>
    %eq3A_258 = arith.constant 13 : i32
    %eq3A_259 = vector.broadcast %eq3A_258 : i32 to vector<256x20xi32>
    %eq3A_260 = arith.cmpi eq, %iota3A_48, %eq3A_259 : vector<256x20xi32>
    %jit3A_261 = arith.constant 0 : i32
    %broadcast_in_dim3A_262 = vector.shape_cast %broadcast_in_dim3A_257 : vector<256x1xi32> to vector<256x1xi32>
    %broadcast_in_dim3A_263 = vector.broadcast %broadcast_in_dim3A_262 : vector<256x1xi32> to vector<256x20xi32>
    %broadcast_in_dim3A_264 = vector.broadcast %jit3A_261 : i32 to vector<256x20xi32>
    %select_n3A_265 = arith.select %eq3A_260, %broadcast_in_dim3A_263, %broadcast_in_dim3A_264 : vector<256x20xi1>, vector<256x20xi32>
    %add3A_266 = arith.addi %add3A_250, %select_n3A_265 : vector<256x20xi32>
    %eq3A_267 = vector.broadcast %broadcast_in_dim3A_257 : vector<256x1xi32> to vector<256x2048xi32>
    %eq3A_268 = arith.cmpi eq, %iota3A, %eq3A_267 : vector<256x2048xi32>
    %jit3A_269 = arith.constant 0xFF800000 : f32
    %broadcast_in_dim3A_270 = vector.broadcast %jit3A_269 : f32 to vector<256x2048xf32>
    %select_n3A_271 = arith.select %eq3A_268, %broadcast_in_dim3A_270, %select_n3A_255 : vector<256x2048xi1>, vector<256x2048xf32>
    %argmax3A_272 = tpu.reduce_index %select_n3A_271 {axis = 1 : i32, kind = #tpu.reduction_kind<arg_max>} : vector<256x2048xf32> -> vector<256xi32>
    %broadcast_in_dim3A_273 = vector.shape_cast %argmax3A_272 : vector<256xi32> to vector<256x1xi32>
    %eq3A_274 = arith.constant 14 : i32
    %eq3A_275 = vector.broadcast %eq3A_274 : i32 to vector<256x20xi32>
    %eq3A_276 = arith.cmpi eq, %iota3A_48, %eq3A_275 : vector<256x20xi32>
    %jit3A_277 = arith.constant 0 : i32
    %broadcast_in_dim3A_278 = vector.shape_cast %broadcast_in_dim3A_273 : vector<256x1xi32> to vector<256x1xi32>
    %broadcast_in_dim3A_279 = vector.broadcast %broadcast_in_dim3A_278 : vector<256x1xi32> to vector<256x20xi32>
    %broadcast_in_dim3A_280 = vector.broadcast %jit3A_277 : i32 to vector<256x20xi32>
    %select_n3A_281 = arith.select %eq3A_276, %broadcast_in_dim3A_279, %broadcast_in_dim3A_280 : vector<256x20xi1>, vector<256x20xi32>
    %add3A_282 = arith.addi %add3A_266, %select_n3A_281 : vector<256x20xi32>
    %eq3A_283 = vector.broadcast %broadcast_in_dim3A_273 : vector<256x1xi32> to vector<256x2048xi32>
    %eq3A_284 = arith.cmpi eq, %iota3A, %eq3A_283 : vector<256x2048xi32>
    %jit3A_285 = arith.constant 0xFF800000 : f32
    %broadcast_in_dim3A_286 = vector.broadcast %jit3A_285 : f32 to vector<256x2048xf32>
    %select_n3A_287 = arith.select %eq3A_284, %broadcast_in_dim3A_286, %select_n3A_271 : vector<256x2048xi1>, vector<256x2048xf32>
    %argmax3A_288 = tpu.reduce_index %select_n3A_287 {axis = 1 : i32, kind = #tpu.reduction_kind<arg_max>} : vector<256x2048xf32> -> vector<256xi32>
    %broadcast_in_dim3A_289 = vector.shape_cast %argmax3A_288 : vector<256xi32> to vector<256x1xi32>
    %eq3A_290 = arith.constant 15 : i32
    %eq3A_291 = vector.broadcast %eq3A_290 : i32 to vector<256x20xi32>
    %eq3A_292 = arith.cmpi eq, %iota3A_48, %eq3A_291 : vector<256x20xi32>
    %jit3A_293 = arith.constant 0 : i32
    %broadcast_in_dim3A_294 = vector.shape_cast %broadcast_in_dim3A_289 : vector<256x1xi32> to vector<256x1xi32>
    %broadcast_in_dim3A_295 = vector.broadcast %broadcast_in_dim3A_294 : vector<256x1xi32> to vector<256x20xi32>
    %broadcast_in_dim3A_296 = vector.broadcast %jit3A_293 : i32 to vector<256x20xi32>
    %select_n3A_297 = arith.select %eq3A_292, %broadcast_in_dim3A_295, %broadcast_in_dim3A_296 : vector<256x20xi1>, vector<256x20xi32>
    %add3A_298 = arith.addi %add3A_282, %select_n3A_297 : vector<256x20xi32>
    %eq3A_299 = vector.broadcast %broadcast_in_dim3A_289 : vector<256x1xi32> to vector<256x2048xi32>
    %eq3A_300 = arith.cmpi eq, %iota3A, %eq3A_299 : vector<256x2048xi32>
    %jit3A_301 = arith.constant 0xFF800000 : f32
    %broadcast_in_dim3A_302 = vector.broadcast %jit3A_301 : f32 to vector<256x2048xf32>
    %select_n3A_303 = arith.select %eq3A_300, %broadcast_in_dim3A_302, %select_n3A_287 : vector<256x2048xi1>, vector<256x2048xf32>
    %argmax3A_304 = tpu.reduce_index %select_n3A_303 {axis = 1 : i32, kind = #tpu.reduction_kind<arg_max>} : vector<256x2048xf32> -> vector<256xi32>
    %broadcast_in_dim3A_305 = vector.shape_cast %argmax3A_304 : vector<256xi32> to vector<256x1xi32>
    %eq3A_306 = arith.constant 16 : i32
    %eq3A_307 = vector.broadcast %eq3A_306 : i32 to vector<256x20xi32>
    %eq3A_308 = arith.cmpi eq, %iota3A_48, %eq3A_307 : vector<256x20xi32>
    %jit3A_309 = arith.constant 0 : i32
    %broadcast_in_dim3A_310 = vector.shape_cast %broadcast_in_dim3A_305 : vector<256x1xi32> to vector<256x1xi32>
    %broadcast_in_dim3A_311 = vector.broadcast %broadcast_in_dim3A_310 : vector<256x1xi32> to vector<256x20xi32>
    %broadcast_in_dim3A_312 = vector.broadcast %jit3A_309 : i32 to vector<256x20xi32>
    %select_n3A_313 = arith.select %eq3A_308, %broadcast_in_dim3A_311, %broadcast_in_dim3A_312 : vector<256x20xi1>, vector<256x20xi32>
    %add3A_314 = arith.addi %add3A_298, %select_n3A_313 : vector<256x20xi32>
    %eq3A_315 = vector.broadcast %broadcast_in_dim3A_305 : vector<256x1xi32> to vector<256x2048xi32>
    %eq3A_316 = arith.cmpi eq, %iota3A, %eq3A_315 : vector<256x2048xi32>
    %jit3A_317 = arith.constant 0xFF800000 : f32
    %broadcast_in_dim3A_318 = vector.broadcast %jit3A_317 : f32 to vector<256x2048xf32>
    %select_n3A_319 = arith.select %eq3A_316, %broadcast_in_dim3A_318, %select_n3A_303 : vector<256x2048xi1>, vector<256x2048xf32>
    %argmax3A_320 = tpu.reduce_index %select_n3A_319 {axis = 1 : i32, kind = #tpu.reduction_kind<arg_max>} : vector<256x2048xf32> -> vector<256xi32>
    %broadcast_in_dim3A_321 = vector.shape_cast %argmax3A_320 : vector<256xi32> to vector<256x1xi32>
    %eq3A_322 = arith.constant 17 : i32
    %eq3A_323 = vector.broadcast %eq3A_322 : i32 to vector<256x20xi32>
    %eq3A_324 = arith.cmpi eq, %iota3A_48, %eq3A_323 : vector<256x20xi32>
    %jit3A_325 = arith.constant 0 : i32
    %broadcast_in_dim3A_326 = vector.shape_cast %broadcast_in_dim3A_321 : vector<256x1xi32> to vector<256x1xi32>
    %broadcast_in_dim3A_327 = vector.broadcast %broadcast_in_dim3A_326 : vector<256x1xi32> to vector<256x20xi32>
    %broadcast_in_dim3A_328 = vector.broadcast %jit3A_325 : i32 to vector<256x20xi32>
    %select_n3A_329 = arith.select %eq3A_324, %broadcast_in_dim3A_327, %broadcast_in_dim3A_328 : vector<256x20xi1>, vector<256x20xi32>
    %add3A_330 = arith.addi %add3A_314, %select_n3A_329 : vector<256x20xi32>
    %eq3A_331 = vector.broadcast %broadcast_in_dim3A_321 : vector<256x1xi32> to vector<256x2048xi32>
    %eq3A_332 = arith.cmpi eq, %iota3A, %eq3A_331 : vector<256x2048xi32>
    %jit3A_333 = arith.constant 0xFF800000 : f32
    %broadcast_in_dim3A_334 = vector.broadcast %jit3A_333 : f32 to vector<256x2048xf32>
    %select_n3A_335 = arith.select %eq3A_332, %broadcast_in_dim3A_334, %select_n3A_319 : vector<256x2048xi1>, vector<256x2048xf32>
    %argmax3A_336 = tpu.reduce_index %select_n3A_335 {axis = 1 : i32, kind = #tpu.reduction_kind<arg_max>} : vector<256x2048xf32> -> vector<256xi32>
    %broadcast_in_dim3A_337 = vector.shape_cast %argmax3A_336 : vector<256xi32> to vector<256x1xi32>
    %eq3A_338 = arith.constant 18 : i32
    %eq3A_339 = vector.broadcast %eq3A_338 : i32 to vector<256x20xi32>
    %eq3A_340 = arith.cmpi eq, %iota3A_48, %eq3A_339 : vector<256x20xi32>
    %jit3A_341 = arith.constant 0 : i32
    %broadcast_in_dim3A_342 = vector.shape_cast %broadcast_in_dim3A_337 : vector<256x1xi32> to vector<256x1xi32>
    %broadcast_in_dim3A_343 = vector.broadcast %broadcast_in_dim3A_342 : vector<256x1xi32> to vector<256x20xi32>
    %broadcast_in_dim3A_344 = vector.broadcast %jit3A_341 : i32 to vector<256x20xi32>
    %select_n3A_345 = arith.select %eq3A_340, %broadcast_in_dim3A_343, %broadcast_in_dim3A_344 : vector<256x20xi1>, vector<256x20xi32>
    %add3A_346 = arith.addi %add3A_330, %select_n3A_345 : vector<256x20xi32>
    %eq3A_347 = vector.broadcast %broadcast_in_dim3A_337 : vector<256x1xi32> to vector<256x2048xi32>
    %eq3A_348 = arith.cmpi eq, %iota3A, %eq3A_347 : vector<256x2048xi32>
    %jit3A_349 = arith.constant 0xFF800000 : f32
    %broadcast_in_dim3A_350 = vector.broadcast %jit3A_349 : f32 to vector<256x2048xf32>
    %select_n3A_351 = arith.select %eq3A_348, %broadcast_in_dim3A_350, %select_n3A_335 : vector<256x2048xi1>, vector<256x2048xf32>
    %argmax3A_352 = tpu.reduce_index %select_n3A_351 {axis = 1 : i32, kind = #tpu.reduction_kind<arg_max>} : vector<256x2048xf32> -> vector<256xi32>
    %broadcast_in_dim3A_353 = vector.shape_cast %argmax3A_352 : vector<256xi32> to vector<256x1xi32>
    %eq3A_354 = arith.constant 19 : i32
    %eq3A_355 = vector.broadcast %eq3A_354 : i32 to vector<256x20xi32>
    %eq3A_356 = arith.cmpi eq, %iota3A_48, %eq3A_355 : vector<256x20xi32>
    %jit3A_357 = arith.constant 0 : i32
    %broadcast_in_dim3A_358 = vector.shape_cast %broadcast_in_dim3A_353 : vector<256x1xi32> to vector<256x1xi32>
    %broadcast_in_dim3A_359 = vector.broadcast %broadcast_in_dim3A_358 : vector<256x1xi32> to vector<256x20xi32>
    %broadcast_in_dim3A_360 = vector.broadcast %jit3A_357 : i32 to vector<256x20xi32>
    %select_n3A_361 = arith.select %eq3A_356, %broadcast_in_dim3A_359, %broadcast_in_dim3A_360 : vector<256x20xi1>, vector<256x20xi32>
    %add3A_362 = arith.addi %add3A_346, %select_n3A_361 : vector<256x20xi32>
    %swap3A_363 = arith.constant 0 : index
    %swap3A_364 = arith.constant 0 : index
    %swap3A_365 = arith.constant 0 : index
    %swap3A_366 = vector.load %arg6[%swap3A_363, %swap3A_364, %swap3A_365] : memref<1x256x20xi32, #tpu.memory_space<vmem>>, vector<1x256x20xi32>
    %swap3A_367 = vector.shape_cast %swap3A_366 : vector<1x256x20xi32> to vector<256x20xi32>
    %swap3A_368 = vector.shape_cast %add3A_362 : vector<256x20xi32> to vector<1x256x20xi32>
    tpu.vector_store %arg6[%swap3A_363, %swap3A_364, %swap3A_365], %swap3A_368 {strides = array<i32>} : memref<1x256x20xi32, #tpu.memory_space<vmem>>, vector<1x256x20xi32>,
    return
  }
  func.func @transform_0(%arg0: i32, %arg1: i32) -> (i32, i32) {
    %mul3A = arith.constant 8 : i32
    %mul3A_0 = arith.muli %arg0, %mul3A : i32
    %add3A = arith.addi %mul3A_0, %arg1 : i32
    %c0_i32 = arith.constant 0 : i32
    %c0_i32_1 = arith.constant 0 : i32
    return %add3A, %c0_i32 : i32, i32
  }
  func.func @transform_1(%arg0: i32, %arg1: i32) -> (i32, i32, i32) {
    %c0_i32 = arith.constant 0 : i32
    %c0_i32_0 = arith.constant 0 : i32
    %c0_i32_1 = arith.constant 0 : i32
    return %arg0, %c0_i32, %c0_i32_0 : i32, i32, i32
  }
  func.func @transform_2(%arg0: i32, %arg1: i32) -> (i32, i32) {
    %c0_i32 = arith.constant 0 : i32
    %c0_i32_0 = arith.constant 0 : i32
    %c0_i32_1 = arith.constant 0 : i32
    return %c0_i32, %c0_i32_0 : i32, i32
  }
  func.func @transform_3(%arg0: i32, %arg1: i32) -> (i32, i32) {
    %c0_i32 = arith.constant 0 : i32
    %c0_i32_0 = arith.constant 0 : i32
    %c0_i32_1 = arith.constant 0 : i32
    return %c0_i32, %c0_i32_0 : i32, i32
  }
  func.func @transform_4(%arg0: i32, %arg1: i32) -> (i32, i32, i32) {
    %c0_i32 = arith.constant 0 : i32
    %c0_i32_0 = arith.constant 0 : i32
    return %arg0, %arg1, %c0_i32 : i32, i32, i32
  }
  func.func @transform_5(%arg0: i32, %arg1: i32) -> (i32, i32) {
    %c0_i32 = arith.constant 0 : i32
    %c0_i32_0 = arith.constant 0 : i32
    return %c0_i32, %arg0 : i32, i32
  }
  func.func @transform_6(%arg0: i32, %arg1: i32) -> (i32, i32) {
    %mul3A = arith.constant 8 : i32
    %mul3A_0 = arith.muli %arg0, %mul3A : i32
    %add3A = arith.addi %mul3A_0, %arg1 : i32
    %c0_i32 = arith.constant 0 : i32
    %c0_i32_1 = arith.constant 0 : i32
    return %add3A, %c0_i32 : i32, i32
  }
  func.func @transform_7(%arg0: i32, %arg1: i32) -> (i32, i32) {
    %c0_i32 = arith.constant 0 : i32
    %c0_i32_0 = arith.constant 0 : i32
    %c0_i32_1 = arith.constant 0 : i32
    return %c0_i32, %c0_i32_0 : i32, i32
  }
}

module attributes {stable_mosaic.version = 14 : i64} {
  func.func @_a1e0_body(%arg0: i32, %arg1: memref<1024x16xf32, #tpu.memory_space<vmem>>, %arg2: memref<2x16xf32, #tpu.memory_space<vmem>>, %arg3: memref<16x1xf32, #tpu.memory_space<vmem>>, %arg4: memref<1x16xf32, #tpu.memory_space<vmem>>, %arg5: memref<1x16xf32, #tpu.memory_space<vmem>>, %arg6: memref<1024x320xf32, #tpu.memory_space<vmem>>, %arg7: memref<1024x1xf32, #tpu.memory_space<vmem>>, %arg8: memref<1x2xf32, #tpu.memory_space<vmem>>, %arg9: memref<2x320xf32, #tpu.memory_space<vmem>>) attributes {dimension_semantics = [#tpu.dimension_semantics<arbitrary>], iteration_bounds = array<i64: 16>, scalar_prefetch = 0 : i64, scratch_operands = 0 : i64, tpu.core_type = #tpu.core_type<tc>, window_params = [{transform_indices = @transform_0, window_bounds = array<i64: 1024, 16>}, {pipeline_mode = #tpu.pipeline_mode<synchronous>, transform_indices = @transform_1, window_bounds = array<i64: 2, 16>}, {pipeline_mode = #tpu.pipeline_mode<synchronous>, transform_indices = @transform_2, window_bounds = array<i64: 16, 1>}, {pipeline_mode = #tpu.pipeline_mode<synchronous>, transform_indices = @transform_3, window_bounds = array<i64: 1, 16>}, {pipeline_mode = #tpu.pipeline_mode<synchronous>, transform_indices = @transform_4, window_bounds = array<i64: 1, 16>}, {transform_indices = @transform_5, window_bounds = array<i64: 1024, 320>}, {transform_indices = @transform_6, window_bounds = array<i64: 1024, 1>}, {pipeline_mode = #tpu.pipeline_mode<synchronous>, transform_indices = @transform_7, window_bounds = array<i64: 1, 2>}, {pipeline_mode = #tpu.pipeline_mode<synchronous>, transform_indices = @transform_8, window_bounds = array<i64: 2, 320>}]} {
    %get3A = arith.constant 0 : index
    %get3A_0 = arith.constant 0 : index
    %get3A_1 = vector.load %arg2[%get3A, %get3A_0] : memref<2x16xf32, #tpu.memory_space<vmem>>, vector<2x16xf32>
    %slice3A = vector.extract_strided_slice %get3A_1 {offsets = [0, 0], sizes = [1, 16], strides = [1, 1]} : vector<2x16xf32> to vector<1x16xf32>
    %mul3A = arith.constant 6.10351563E-5 : f32
    %mul3A_2 = vector.broadcast %mul3A : f32 to vector<1x16xf32>
    %mul3A_3 = arith.mulf %slice3A, %mul3A_2 : vector<1x16xf32>
    %slice3A_4 = vector.extract_strided_slice %get3A_1 {offsets = [1, 0], sizes = [1, 16], strides = [1, 1]} : vector<2x16xf32> to vector<1x16xf32>
    %mul3A_5 = arith.constant 6.10351563E-5 : f32
    %mul3A_6 = vector.broadcast %mul3A_5 : f32 to vector<1x16xf32>
    %mul3A_7 = arith.mulf %slice3A_4, %mul3A_6 : vector<1x16xf32>
    %mul3A_8 = arith.mulf %mul3A_3, %mul3A_3 : vector<1x16xf32>
    %sub3A = arith.subf %mul3A_7, %mul3A_8 : vector<1x16xf32>
    %get3A_9 = arith.constant 0 : index
    %get3A_10 = arith.constant 0 : index
    %get3A_11 = vector.load %arg4[%get3A_9, %get3A_10] : memref<1x16xf32, #tpu.memory_space<vmem>>, vector<1x16xf32>
    %add3A = arith.constant 9.99999974E-6 : f32
    %add3A_12 = vector.broadcast %add3A : f32 to vector<1x16xf32>
    %add3A_13 = arith.addf %sub3A, %add3A_12 : vector<1x16xf32>
    %sqrt3A = math.sqrt %add3A_13 : vector<1x16xf32>
    %div3A = arith.divf %get3A_11, %sqrt3A : vector<1x16xf32>
    %get3A_14 = arith.constant 0 : index
    %get3A_15 = arith.constant 0 : index
    %get3A_16 = vector.load %arg5[%get3A_14, %get3A_15] : memref<1x16xf32, #tpu.memory_space<vmem>>, vector<1x16xf32>
    %mul3A_17 = arith.mulf %mul3A_3, %div3A : vector<1x16xf32>
    %sub3A_18 = arith.subf %get3A_16, %mul3A_17 : vector<1x16xf32>
    %get3A_19 = arith.constant 0 : index
    %get3A_20 = arith.constant 0 : index
    %get3A_21 = vector.load %arg1[%get3A_19, %get3A_20] : memref<1024x16xf32, #tpu.memory_space<vmem>>, vector<1024x16xf32>
    %mul3A_22 = vector.broadcast %div3A : vector<1x16xf32> to vector<1024x16xf32>
    %mul3A_23 = arith.mulf %get3A_21, %mul3A_22 : vector<1024x16xf32>
    %add3A_24 = vector.broadcast %sub3A_18 : vector<1x16xf32> to vector<1024x16xf32>
    %add3A_25 = arith.addf %mul3A_23, %add3A_24 : vector<1024x16xf32>
    %jit3A = arith.constant 0.00999999977 : f32
    %ge3A = arith.constant 0.000000e+00 : f32
    %ge3A_26 = vector.broadcast %ge3A : f32 to vector<1024x16xf32>
    %ge3A_27 = arith.cmpf oge, %add3A_25, %ge3A_26 : vector<1024x16xf32>
    %mul3A_28 = vector.broadcast %jit3A : f32 to vector<1024x16xf32>
    %mul3A_29 = arith.mulf %mul3A_28, %add3A_25 : vector<1024x16xf32>
    %select_n3A = arith.select %ge3A_27, %add3A_25, %mul3A_29 : vector<1024x16xi1>, vector<1024x16xf32>
    %get3A_30 = arith.constant 0 : index
    %get3A_31 = arith.constant 0 : index
    %get3A_32 = vector.load %arg3[%get3A_30, %get3A_31] : memref<16x1xf32, #tpu.memory_space<vmem>>, vector<16x1xf32>
    %dot_general3A = arith.constant dense<0.000000e+00> : vector<1024x1xf32>
    %dot_general3A_33 = tpu.matmul %select_n3A, %get3A_32, %dot_general3A {dimension_numbers = #tpu.dot_dimension_numbers<[1], [0], [0], [1], [0, 0, 1, 1], [], []>, transpose_lhs_hint = false} : vector<1024x16xf32>, vector<16x1xf32>, vector<1024x1xf32> -> vector<1024x1xf32>
    %swap3A = arith.constant 0 : index
    %swap3A_34 = arith.constant 0 : index
    %swap3A_35 = vector.load %arg7[%swap3A, %swap3A_34] : memref<1024x1xf32, #tpu.memory_space<vmem>>, vector<1024x1xf32>
    tpu.vector_store %arg7[%swap3A, %swap3A_34], %dot_general3A_33 {strides = array<i32>} : memref<1024x1xf32, #tpu.memory_space<vmem>>, vector<1024x1xf32>,
    %get3A_36 = arith.constant 0 : index
    %get3A_37 = arith.constant 0 : index
    %get3A_38 = vector.load %arg6[%get3A_36, %get3A_37] : memref<1024x320xf32, #tpu.memory_space<vmem>>, vector<1024x320xf32>
    %eq3A = arith.constant 0 : i32
    %eq3A_39 = arith.cmpi eq, %arg0, %eq3A : i32
    %convert_element_type3A = arith.extui %eq3A_39 : i1 to i32
    %cond3A = arith.constant 0 : i32
    %cond3A_40 = arith.cmpi ne, %convert_element_type3A, %cond3A : i32
    scf.if %cond3A_40 {
      %broadcast_in_dim3A_73 = arith.constant 0.000000e+00 : f32
      %broadcast_in_dim3A_74 = vector.broadcast %broadcast_in_dim3A_73 : f32 to vector<1x2xf32>
      %swap3A_75 = arith.constant 0 : index
      %swap3A_76 = arith.constant 0 : index
      %swap3A_77 = vector.load %arg8[%swap3A_75, %swap3A_76] : memref<1x2xf32, #tpu.memory_space<vmem>>, vector<1x2xf32>
      tpu.vector_store %arg8[%swap3A_75, %swap3A_76], %broadcast_in_dim3A_74 {strides = array<i32>} : memref<1x2xf32, #tpu.memory_space<vmem>>, vector<1x2xf32>,
      %broadcast_in_dim3A_78 = arith.constant 0.000000e+00 : f32
      %broadcast_in_dim3A_79 = vector.broadcast %broadcast_in_dim3A_78 : f32 to vector<2x320xf32>
      %swap3A_80 = arith.constant 0 : index
      %swap3A_81 = arith.constant 0 : index
      %swap3A_82 = vector.load %arg9[%swap3A_80, %swap3A_81] : memref<2x320xf32, #tpu.memory_space<vmem>>, vector<2x320xf32>
      tpu.vector_store %arg9[%swap3A_80, %swap3A_81], %broadcast_in_dim3A_79 {strides = array<i32>} : memref<2x320xf32, #tpu.memory_space<vmem>>, vector<2x320xf32>,
    } else {
    }
    %get3A_41 = arith.constant 0 : index
    %get3A_42 = arith.constant 0 : index
    %get3A_43 = vector.load %arg8[%get3A_41, %get3A_42] : memref<1x2xf32, #tpu.memory_space<vmem>>, vector<1x2xf32>
    %reduce_sum3A = vector.shape_cast %dot_general3A_33 : vector<1024x1xf32> to vector<1x1024x1xf32>
    %reduce_sum3A_44 = arith.constant dense<0.000000e+00> : vector<1xf32>
    %reduce_sum3A_45 = vector.multi_reduction <add>, %reduce_sum3A, %reduce_sum3A_44 [1, 2] : vector<1x1024x1xf32> to vector<1xf32>
    %reduce_sum3A_46 = vector.shape_cast %reduce_sum3A_45 : vector<1xf32> to vector<1x1x1xf32>
    %reduce_sum3A_47 = vector.extract %reduce_sum3A_46[0, 0, 0] : f32 from vector<1x1x1xf32>
    %reshape3A = vector.broadcast %reduce_sum3A_47 : f32 to vector<1x1xf32>
    %mul3A_48 = arith.mulf %dot_general3A_33, %dot_general3A_33 : vector<1024x1xf32>
    %reduce_sum3A_49 = vector.shape_cast %mul3A_48 : vector<1024x1xf32> to vector<1x1024x1xf32>
    %reduce_sum3A_50 = arith.constant dense<0.000000e+00> : vector<1xf32>
    %reduce_sum3A_51 = vector.multi_reduction <add>, %reduce_sum3A_49, %reduce_sum3A_50 [1, 2] : vector<1x1024x1xf32> to vector<1xf32>
    %reduce_sum3A_52 = vector.shape_cast %reduce_sum3A_51 : vector<1xf32> to vector<1x1x1xf32>
    %reduce_sum3A_53 = vector.extract %reduce_sum3A_52[0, 0, 0] : f32 from vector<1x1x1xf32>
    %reshape3A_54 = vector.broadcast %reduce_sum3A_53 : f32 to vector<1x1xf32>
    %concatenate3A = tpu.concatenate %reshape3A, %reshape3A_54 in 1 : vector<1x1xf32>, vector<1x1xf32> -> vector<1x2xf32>
    %add3A_55 = arith.addf %get3A_43, %concatenate3A : vector<1x2xf32>
    %swap3A_56 = arith.constant 0 : index
    %swap3A_57 = arith.constant 0 : index
    %swap3A_58 = vector.load %arg8[%swap3A_56, %swap3A_57] : memref<1x2xf32, #tpu.memory_space<vmem>>, vector<1x2xf32>
    tpu.vector_store %arg8[%swap3A_56, %swap3A_57], %add3A_55 {strides = array<i32>} : memref<1x2xf32, #tpu.memory_space<vmem>>, vector<1x2xf32>,
    %get3A_59 = arith.constant 0 : index
    %get3A_60 = arith.constant 0 : index
    %get3A_61 = vector.load %arg9[%get3A_59, %get3A_60] : memref<2x320xf32, #tpu.memory_space<vmem>>, vector<2x320xf32>
    %reduce_sum3A_62 = arith.constant dense<0.000000e+00> : vector<320xf32>
    %reduce_sum3A_63 = vector.multi_reduction <add>, %get3A_38, %reduce_sum3A_62 [0] : vector<1024x320xf32> to vector<320xf32>
    %broadcast_in_dim3A = vector.shape_cast %reduce_sum3A_63 : vector<320xf32> to vector<1x320xf32>
    %mul3A_64 = arith.mulf %get3A_38, %get3A_38 : vector<1024x320xf32>
    %reduce_sum3A_65 = arith.constant dense<0.000000e+00> : vector<320xf32>
    %reduce_sum3A_66 = vector.multi_reduction <add>, %mul3A_64, %reduce_sum3A_65 [0] : vector<1024x320xf32> to vector<320xf32>
    %broadcast_in_dim3A_67 = vector.shape_cast %reduce_sum3A_66 : vector<320xf32> to vector<1x320xf32>
    %concatenate3A_68 = tpu.concatenate %broadcast_in_dim3A, %broadcast_in_dim3A_67 in 0 : vector<1x320xf32>, vector<1x320xf32> -> vector<2x320xf32>
    %add3A_69 = arith.addf %get3A_61, %concatenate3A_68 : vector<2x320xf32>
    %swap3A_70 = arith.constant 0 : index
    %swap3A_71 = arith.constant 0 : index
    %swap3A_72 = vector.load %arg9[%swap3A_70, %swap3A_71] : memref<2x320xf32, #tpu.memory_space<vmem>>, vector<2x320xf32>
    tpu.vector_store %arg9[%swap3A_70, %swap3A_71], %add3A_69 {strides = array<i32>} : memref<2x320xf32, #tpu.memory_space<vmem>>, vector<2x320xf32>,
    return
  }
  func.func @transform_0(%arg0: i32) -> (i32, i32) {
    %c0_i32 = arith.constant 0 : i32
    %c0_i32_0 = arith.constant 0 : i32
    return %arg0, %c0_i32 : i32, i32
  }
  func.func @transform_1(%arg0: i32) -> (i32, i32) {
    %c0_i32 = arith.constant 0 : i32
    %c0_i32_0 = arith.constant 0 : i32
    %c0_i32_1 = arith.constant 0 : i32
    return %c0_i32, %c0_i32_0 : i32, i32
  }
  func.func @transform_2(%arg0: i32) -> (i32, i32) {
    %c0_i32 = arith.constant 0 : i32
    %c0_i32_0 = arith.constant 0 : i32
    %c0_i32_1 = arith.constant 0 : i32
    return %c0_i32, %c0_i32_0 : i32, i32
  }
  func.func @transform_3(%arg0: i32) -> (i32, i32) {
    %c0_i32 = arith.constant 0 : i32
    %c0_i32_0 = arith.constant 0 : i32
    %c0_i32_1 = arith.constant 0 : i32
    return %c0_i32, %c0_i32_0 : i32, i32
  }
  func.func @transform_4(%arg0: i32) -> (i32, i32) {
    %c0_i32 = arith.constant 0 : i32
    %c0_i32_0 = arith.constant 0 : i32
    %c0_i32_1 = arith.constant 0 : i32
    return %c0_i32, %c0_i32_0 : i32, i32
  }
  func.func @transform_5(%arg0: i32) -> (i32, i32) {
    %c0_i32 = arith.constant 0 : i32
    %c0_i32_0 = arith.constant 0 : i32
    return %arg0, %c0_i32 : i32, i32
  }
  func.func @transform_6(%arg0: i32) -> (i32, i32) {
    %c0_i32 = arith.constant 0 : i32
    %c0_i32_0 = arith.constant 0 : i32
    return %arg0, %c0_i32 : i32, i32
  }
  func.func @transform_7(%arg0: i32) -> (i32, i32) {
    %c0_i32 = arith.constant 0 : i32
    %c0_i32_0 = arith.constant 0 : i32
    %c0_i32_1 = arith.constant 0 : i32
    return %c0_i32, %c0_i32_0 : i32, i32
  }
  func.func @transform_8(%arg0: i32) -> (i32, i32) {
    %c0_i32 = arith.constant 0 : i32
    %c0_i32_0 = arith.constant 0 : i32
    %c0_i32_1 = arith.constant 0 : i32
    return %c0_i32, %c0_i32_0 : i32, i32
  }
}

module attributes {stable_mosaic.version = 14 : i64} {
  func.func @_e1_body(%arg0: i32, %arg1: memref<1024x320xf32, #tpu.memory_space<vmem>>, %arg2: memref<2x320xf32, #tpu.memory_space<vmem>>, %arg3: memref<320x16xf32, #tpu.memory_space<vmem>>, %arg4: memref<16x320xf32, #tpu.memory_space<vmem>>, %arg5: memref<320x20xf32, #tpu.memory_space<vmem>>, %arg6: memref<1x16xf32, #tpu.memory_space<vmem>>, %arg7: memref<1x16xf32, #tpu.memory_space<vmem>>, %arg8: memref<1024x320xf32, #tpu.memory_space<vmem>>, %arg9: memref<1024x20xf32, #tpu.memory_space<vmem>>, %arg10: memref<1x2xf32, #tpu.memory_space<vmem>>) attributes {dimension_semantics = [#tpu.dimension_semantics<arbitrary>], iteration_bounds = array<i64: 16>, scalar_prefetch = 0 : i64, scratch_operands = 0 : i64, tpu.core_type = #tpu.core_type<tc>, window_params = [{transform_indices = @transform_0, window_bounds = array<i64: 1024, 320>}, {pipeline_mode = #tpu.pipeline_mode<synchronous>, transform_indices = @transform_1, window_bounds = array<i64: 2, 320>}, {pipeline_mode = #tpu.pipeline_mode<synchronous>, transform_indices = @transform_2, window_bounds = array<i64: 320, 16>}, {pipeline_mode = #tpu.pipeline_mode<synchronous>, transform_indices = @transform_3, window_bounds = array<i64: 16, 320>}, {pipeline_mode = #tpu.pipeline_mode<synchronous>, transform_indices = @transform_4, window_bounds = array<i64: 320, 20>}, {pipeline_mode = #tpu.pipeline_mode<synchronous>, transform_indices = @transform_5, window_bounds = array<i64: 1, 16>}, {pipeline_mode = #tpu.pipeline_mode<synchronous>, transform_indices = @transform_6, window_bounds = array<i64: 1, 16>}, {transform_indices = @transform_7, window_bounds = array<i64: 1024, 320>}, {transform_indices = @transform_8, window_bounds = array<i64: 1024, 20>}, {pipeline_mode = #tpu.pipeline_mode<synchronous>, transform_indices = @transform_9, window_bounds = array<i64: 1, 2>}]} {
    %get3A = arith.constant 0 : index
    %get3A_0 = arith.constant 0 : index
    %get3A_1 = vector.load %arg2[%get3A, %get3A_0] : memref<2x320xf32, #tpu.memory_space<vmem>>, vector<2x320xf32>
    %get3A_2 = arith.constant 0 : index
    %get3A_3 = arith.constant 0 : index
    %get3A_4 = vector.load %arg3[%get3A_2, %get3A_3] : memref<320x16xf32, #tpu.memory_space<vmem>>, vector<320x16xf32>
    %slice3A = vector.extract_strided_slice %get3A_1 {offsets = [0, 0], sizes = [1, 320], strides = [1, 1]} : vector<2x320xf32> to vector<1x320xf32>
    %dot_general3A = arith.constant dense<0.000000e+00> : vector<1x16xf32>
    %dot_general3A_5 = tpu.matmul %slice3A, %get3A_4, %dot_general3A {dimension_numbers = #tpu.dot_dimension_numbers<[1], [0], [0], [1], [0, 0, 1, 1], [], []>, transpose_lhs_hint = false} : vector<1x320xf32>, vector<320x16xf32>, vector<1x16xf32> -> vector<1x16xf32>
    %mul3A = arith.constant 3.05175786E-6 : f32
    %mul3A_6 = vector.broadcast %mul3A : f32 to vector<1x16xf32>
    %mul3A_7 = arith.mulf %dot_general3A_5, %mul3A_6 : vector<1x16xf32>
    %slice3A_8 = vector.extract_strided_slice %get3A_1 {offsets = [1, 0], sizes = [1, 320], strides = [1, 1]} : vector<2x320xf32> to vector<1x320xf32>
    %dot_general3A_9 = arith.constant dense<0.000000e+00> : vector<1x16xf32>
    %dot_general3A_10 = tpu.matmul %slice3A_8, %get3A_4, %dot_general3A_9 {dimension_numbers = #tpu.dot_dimension_numbers<[1], [0], [0], [1], [0, 0, 1, 1], [], []>, transpose_lhs_hint = false} : vector<1x320xf32>, vector<320x16xf32>, vector<1x16xf32> -> vector<1x16xf32>
    %mul3A_11 = arith.constant 3.05175786E-6 : f32
    %mul3A_12 = vector.broadcast %mul3A_11 : f32 to vector<1x16xf32>
    %mul3A_13 = arith.mulf %dot_general3A_10, %mul3A_12 : vector<1x16xf32>
    %mul3A_14 = arith.mulf %mul3A_7, %mul3A_7 : vector<1x16xf32>
    %sub3A = arith.subf %mul3A_13, %mul3A_14 : vector<1x16xf32>
    %get3A_15 = arith.constant 0 : index
    %get3A_16 = arith.constant 0 : index
    %get3A_17 = vector.load %arg6[%get3A_15, %get3A_16] : memref<1x16xf32, #tpu.memory_space<vmem>>, vector<1x16xf32>
    %add3A = arith.constant 9.99999974E-6 : f32
    %add3A_18 = vector.broadcast %add3A : f32 to vector<1x16xf32>
    %add3A_19 = arith.addf %sub3A, %add3A_18 : vector<1x16xf32>
    %sqrt3A = math.sqrt %add3A_19 : vector<1x16xf32>
    %div3A = arith.divf %get3A_17, %sqrt3A : vector<1x16xf32>
    %get3A_20 = arith.constant 0 : index
    %get3A_21 = arith.constant 0 : index
    %get3A_22 = vector.load %arg7[%get3A_20, %get3A_21] : memref<1x16xf32, #tpu.memory_space<vmem>>, vector<1x16xf32>
    %mul3A_23 = arith.mulf %mul3A_7, %div3A : vector<1x16xf32>
    %sub3A_24 = arith.subf %get3A_22, %mul3A_23 : vector<1x16xf32>
    %get3A_25 = arith.constant 0 : index
    %get3A_26 = arith.constant 0 : index
    %get3A_27 = vector.load %arg4[%get3A_25, %get3A_26] : memref<16x320xf32, #tpu.memory_space<vmem>>, vector<16x320xf32>
    %dot_general3A_28 = arith.constant dense<0.000000e+00> : vector<1x320xf32>
    %dot_general3A_29 = tpu.matmul %div3A, %get3A_27, %dot_general3A_28 {dimension_numbers = #tpu.dot_dimension_numbers<[1], [0], [0], [1], [0, 0, 1, 1], [], []>, transpose_lhs_hint = false} : vector<1x16xf32>, vector<16x320xf32>, vector<1x320xf32> -> vector<1x320xf32>
    %dot_general3A_30 = arith.constant dense<0.000000e+00> : vector<1x320xf32>
    %dot_general3A_31 = tpu.matmul %sub3A_24, %get3A_27, %dot_general3A_30 {dimension_numbers = #tpu.dot_dimension_numbers<[1], [0], [0], [1], [0, 0, 1, 1], [], []>, transpose_lhs_hint = false} : vector<1x16xf32>, vector<16x320xf32>, vector<1x320xf32> -> vector<1x320xf32>
    %get3A_32 = arith.constant 0 : index
    %get3A_33 = arith.constant 0 : index
    %get3A_34 = vector.load %arg1[%get3A_32, %get3A_33] : memref<1024x320xf32, #tpu.memory_space<vmem>>, vector<1024x320xf32>
    %mul3A_35 = vector.broadcast %dot_general3A_29 : vector<1x320xf32> to vector<1024x320xf32>
    %mul3A_36 = arith.mulf %get3A_34, %mul3A_35 : vector<1024x320xf32>
    %add3A_37 = vector.broadcast %dot_general3A_31 : vector<1x320xf32> to vector<1024x320xf32>
    %add3A_38 = arith.addf %mul3A_36, %add3A_37 : vector<1024x320xf32>
    %jit3A = arith.constant 0.00999999977 : f32
    %ge3A = arith.constant 0.000000e+00 : f32
    %ge3A_39 = vector.broadcast %ge3A : f32 to vector<1024x320xf32>
    %ge3A_40 = arith.cmpf oge, %add3A_38, %ge3A_39 : vector<1024x320xf32>
    %mul3A_41 = vector.broadcast %jit3A : f32 to vector<1024x320xf32>
    %mul3A_42 = arith.mulf %mul3A_41, %add3A_38 : vector<1024x320xf32>
    %select_n3A = arith.select %ge3A_40, %add3A_38, %mul3A_42 : vector<1024x320xi1>, vector<1024x320xf32>
    %swap3A = arith.constant 0 : index
    %swap3A_43 = arith.constant 0 : index
    %swap3A_44 = vector.load %arg8[%swap3A, %swap3A_43] : memref<1024x320xf32, #tpu.memory_space<vmem>>, vector<1024x320xf32>
    tpu.vector_store %arg8[%swap3A, %swap3A_43], %select_n3A {strides = array<i32>} : memref<1024x320xf32, #tpu.memory_space<vmem>>, vector<1024x320xf32>,
    %get3A_45 = arith.constant 0 : index
    %get3A_46 = arith.constant 0 : index
    %get3A_47 = vector.load %arg5[%get3A_45, %get3A_46] : memref<320x20xf32, #tpu.memory_space<vmem>>, vector<320x20xf32>
    %dot_general3A_48 = arith.constant dense<0.000000e+00> : vector<1024x20xf32>
    %dot_general3A_49 = tpu.matmul %select_n3A, %get3A_47, %dot_general3A_48 {dimension_numbers = #tpu.dot_dimension_numbers<[1], [0], [0], [1], [0, 0, 1, 1], [], []>, transpose_lhs_hint = false} : vector<1024x320xf32>, vector<320x20xf32>, vector<1024x20xf32> -> vector<1024x20xf32>
    %swap3A_50 = arith.constant 0 : index
    %swap3A_51 = arith.constant 0 : index
    %swap3A_52 = vector.load %arg9[%swap3A_50, %swap3A_51] : memref<1024x20xf32, #tpu.memory_space<vmem>>, vector<1024x20xf32>
    tpu.vector_store %arg9[%swap3A_50, %swap3A_51], %dot_general3A_49 {strides = array<i32>} : memref<1024x20xf32, #tpu.memory_space<vmem>>, vector<1024x20xf32>,
    %eq3A = arith.constant 0 : i32
    %eq3A_53 = arith.cmpi eq, %arg0, %eq3A : i32
    %convert_element_type3A = arith.extui %eq3A_53 : i1 to i32
    %cond3A = arith.constant 0 : i32
    %cond3A_54 = arith.cmpi ne, %convert_element_type3A, %cond3A : i32
    scf.if %cond3A_54 {
      %broadcast_in_dim3A = arith.constant 0.000000e+00 : f32
      %broadcast_in_dim3A_73 = vector.broadcast %broadcast_in_dim3A : f32 to vector<1x2xf32>
      %swap3A_74 = arith.constant 0 : index
      %swap3A_75 = arith.constant 0 : index
      %swap3A_76 = vector.load %arg10[%swap3A_74, %swap3A_75] : memref<1x2xf32, #tpu.memory_space<vmem>>, vector<1x2xf32>
      tpu.vector_store %arg10[%swap3A_74, %swap3A_75], %broadcast_in_dim3A_73 {strides = array<i32>} : memref<1x2xf32, #tpu.memory_space<vmem>>, vector<1x2xf32>,
    } else {
    }
    %reduce_sum3A = vector.shape_cast %dot_general3A_49 : vector<1024x20xf32> to vector<1x1024x20xf32>
    %reduce_sum3A_55 = arith.constant dense<0.000000e+00> : vector<1xf32>
    %reduce_sum3A_56 = vector.multi_reduction <add>, %reduce_sum3A, %reduce_sum3A_55 [1, 2] : vector<1x1024x20xf32> to vector<1xf32>
    %reduce_sum3A_57 = vector.shape_cast %reduce_sum3A_56 : vector<1xf32> to vector<1x1x1xf32>
    %reduce_sum3A_58 = vector.extract %reduce_sum3A_57[0, 0, 0] : f32 from vector<1x1x1xf32>
    %mul3A_59 = arith.mulf %dot_general3A_49, %dot_general3A_49 : vector<1024x20xf32>
    %reduce_sum3A_60 = vector.shape_cast %mul3A_59 : vector<1024x20xf32> to vector<1x1024x20xf32>
    %reduce_sum3A_61 = arith.constant dense<0.000000e+00> : vector<1xf32>
    %reduce_sum3A_62 = vector.multi_reduction <add>, %reduce_sum3A_60, %reduce_sum3A_61 [1, 2] : vector<1x1024x20xf32> to vector<1xf32>
    %reduce_sum3A_63 = vector.shape_cast %reduce_sum3A_62 : vector<1xf32> to vector<1x1x1xf32>
    %reduce_sum3A_64 = vector.extract %reduce_sum3A_63[0, 0, 0] : f32 from vector<1x1x1xf32>
    %get3A_65 = arith.constant 0 : index
    %get3A_66 = arith.constant 0 : index
    %get3A_67 = vector.load %arg10[%get3A_65, %get3A_66] : memref<1x2xf32, #tpu.memory_space<vmem>>, vector<1x2xf32>
    %reshape3A = vector.broadcast %reduce_sum3A_58 : f32 to vector<1x1xf32>
    %reshape3A_68 = vector.broadcast %reduce_sum3A_64 : f32 to vector<1x1xf32>
    %concatenate3A = tpu.concatenate %reshape3A, %reshape3A_68 in 1 : vector<1x1xf32>, vector<1x1xf32> -> vector<1x2xf32>
    %add3A_69 = arith.addf %get3A_67, %concatenate3A : vector<1x2xf32>
    %swap3A_70 = arith.constant 0 : index
    %swap3A_71 = arith.constant 0 : index
    %swap3A_72 = vector.load %arg10[%swap3A_70, %swap3A_71] : memref<1x2xf32, #tpu.memory_space<vmem>>, vector<1x2xf32>
    tpu.vector_store %arg10[%swap3A_70, %swap3A_71], %add3A_69 {strides = array<i32>} : memref<1x2xf32, #tpu.memory_space<vmem>>, vector<1x2xf32>,
    return
  }
  func.func @transform_0(%arg0: i32) -> (i32, i32) {
    %c0_i32 = arith.constant 0 : i32
    %c0_i32_0 = arith.constant 0 : i32
    return %arg0, %c0_i32 : i32, i32
  }
  func.func @transform_1(%arg0: i32) -> (i32, i32) {
    %c0_i32 = arith.constant 0 : i32
    %c0_i32_0 = arith.constant 0 : i32
    %c0_i32_1 = arith.constant 0 : i32
    return %c0_i32, %c0_i32_0 : i32, i32
  }
  func.func @transform_2(%arg0: i32) -> (i32, i32) {
    %c0_i32 = arith.constant 0 : i32
    %c0_i32_0 = arith.constant 0 : i32
    %c0_i32_1 = arith.constant 0 : i32
    return %c0_i32, %c0_i32_0 : i32, i32
  }
  func.func @transform_3(%arg0: i32) -> (i32, i32) {
    %c0_i32 = arith.constant 0 : i32
    %c0_i32_0 = arith.constant 0 : i32
    %c0_i32_1 = arith.constant 0 : i32
    return %c0_i32, %c0_i32_0 : i32, i32
  }
  func.func @transform_4(%arg0: i32) -> (i32, i32) {
    %c0_i32 = arith.constant 0 : i32
    %c0_i32_0 = arith.constant 0 : i32
    %c0_i32_1 = arith.constant 0 : i32
    return %c0_i32, %c0_i32_0 : i32, i32
  }
  func.func @transform_5(%arg0: i32) -> (i32, i32) {
    %c0_i32 = arith.constant 0 : i32
    %c0_i32_0 = arith.constant 0 : i32
    %c0_i32_1 = arith.constant 0 : i32
    return %c0_i32, %c0_i32_0 : i32, i32
  }
  func.func @transform_6(%arg0: i32) -> (i32, i32) {
    %c0_i32 = arith.constant 0 : i32
    %c0_i32_0 = arith.constant 0 : i32
    %c0_i32_1 = arith.constant 0 : i32
    return %c0_i32, %c0_i32_0 : i32, i32
  }
  func.func @transform_7(%arg0: i32) -> (i32, i32) {
    %c0_i32 = arith.constant 0 : i32
    %c0_i32_0 = arith.constant 0 : i32
    return %arg0, %c0_i32 : i32, i32
  }
  func.func @transform_8(%arg0: i32) -> (i32, i32) {
    %c0_i32 = arith.constant 0 : i32
    %c0_i32_0 = arith.constant 0 : i32
    return %arg0, %c0_i32 : i32, i32
  }
  func.func @transform_9(%arg0: i32) -> (i32, i32) {
    %c0_i32 = arith.constant 0 : i32
    %c0_i32_0 = arith.constant 0 : i32
    %c0_i32_1 = arith.constant 0 : i32
    return %c0_i32, %c0_i32_0 : i32, i32
  }
}

module attributes {stable_mosaic.version = 14 : i64} {
  func.func @_e2_body(%arg0: i32, %arg1: memref<1024x320xf32, #tpu.memory_space<vmem>>, %arg2: memref<1024x20xf32, #tpu.memory_space<vmem>>, %arg3: memref<1024x1xf32, #tpu.memory_space<vmem>>, %arg4: memref<1x2xf32, #tpu.memory_space<vmem>>, %arg5: memref<1x2xf32, #tpu.memory_space<vmem>>, %arg6: memref<1x1xf32, #tpu.memory_space<vmem>>, %arg7: memref<1x1xf32, #tpu.memory_space<vmem>>, %arg8: memref<1x1xf32, #tpu.memory_space<vmem>>, %arg9: memref<1x1xf32, #tpu.memory_space<vmem>>, %arg10: memref<20x320xf32, #tpu.memory_space<vmem>>, %arg11: memref<320x16xf32, #tpu.memory_space<vmem>>, %arg12: memref<1024x16xf32, #tpu.memory_space<vmem>>) attributes {dimension_semantics = [#tpu.dimension_semantics<arbitrary>], iteration_bounds = array<i64: 16>, scalar_prefetch = 0 : i64, scratch_operands = 0 : i64, tpu.core_type = #tpu.core_type<tc>, window_params = [{transform_indices = @transform_0, window_bounds = array<i64: 1024, 320>}, {transform_indices = @transform_1, window_bounds = array<i64: 1024, 20>}, {transform_indices = @transform_2, window_bounds = array<i64: 1024, 1>}, {pipeline_mode = #tpu.pipeline_mode<synchronous>, transform_indices = @transform_3, window_bounds = array<i64: 1, 2>}, {pipeline_mode = #tpu.pipeline_mode<synchronous>, transform_indices = @transform_4, window_bounds = array<i64: 1, 2>}, {pipeline_mode = #tpu.pipeline_mode<synchronous>, transform_indices = @transform_5, window_bounds = array<i64: 1, 1>}, {pipeline_mode = #tpu.pipeline_mode<synchronous>, transform_indices = @transform_6, window_bounds = array<i64: 1, 1>}, {pipeline_mode = #tpu.pipeline_mode<synchronous>, transform_indices = @transform_7, window_bounds = array<i64: 1, 1>}, {pipeline_mode = #tpu.pipeline_mode<synchronous>, transform_indices = @transform_8, window_bounds = array<i64: 1, 1>}, {pipeline_mode = #tpu.pipeline_mode<synchronous>, transform_indices = @transform_9, window_bounds = array<i64: 20, 320>}, {pipeline_mode = #tpu.pipeline_mode<synchronous>, transform_indices = @transform_10, window_bounds = array<i64: 320, 16>}, {transform_indices = @transform_11, window_bounds = array<i64: 1024, 16>}]} {
    %get3A = arith.constant 0 : index
    %get3A_0 = arith.constant 0 : index
    %get3A_1 = vector.load %arg4[%get3A, %get3A_0] : memref<1x2xf32, #tpu.memory_space<vmem>>, vector<1x2xf32>
    %slice3A = vector.extract_strided_slice %get3A_1 {offsets = [0, 0], sizes = [1, 1], strides = [1, 1]} : vector<1x2xf32> to vector<1x1xf32>
    %mul3A = arith.constant 6.10351563E-5 : f32
    %mul3A_2 = vector.broadcast %mul3A : f32 to vector<1x1xf32>
    %mul3A_3 = arith.mulf %slice3A, %mul3A_2 : vector<1x1xf32>
    %slice3A_4 = vector.extract_strided_slice %get3A_1 {offsets = [0, 1], sizes = [1, 1], strides = [1, 1]} : vector<1x2xf32> to vector<1x1xf32>
    %mul3A_5 = arith.constant 6.10351563E-5 : f32
    %mul3A_6 = vector.broadcast %mul3A_5 : f32 to vector<1x1xf32>
    %mul3A_7 = arith.mulf %slice3A_4, %mul3A_6 : vector<1x1xf32>
    %mul3A_8 = arith.mulf %mul3A_3, %mul3A_3 : vector<1x1xf32>
    %sub3A = arith.subf %mul3A_7, %mul3A_8 : vector<1x1xf32>
    %get3A_9 = arith.constant 0 : index
    %get3A_10 = arith.constant 0 : index
    %get3A_11 = vector.load %arg6[%get3A_9, %get3A_10] : memref<1x1xf32, #tpu.memory_space<vmem>>, vector<1x1xf32>
    %add3A = arith.constant 9.99999974E-6 : f32
    %add3A_12 = vector.broadcast %add3A : f32 to vector<1x1xf32>
    %add3A_13 = arith.addf %sub3A, %add3A_12 : vector<1x1xf32>
    %sqrt3A = math.sqrt %add3A_13 : vector<1x1xf32>
    %div3A = arith.divf %get3A_11, %sqrt3A : vector<1x1xf32>
    %get3A_14 = arith.constant 0 : index
    %get3A_15 = arith.constant 0 : index
    %get3A_16 = vector.load %arg7[%get3A_14, %get3A_15] : memref<1x1xf32, #tpu.memory_space<vmem>>, vector<1x1xf32>
    %mul3A_17 = arith.mulf %mul3A_3, %div3A : vector<1x1xf32>
    %sub3A_18 = arith.subf %get3A_16, %mul3A_17 : vector<1x1xf32>
    %get3A_19 = arith.constant 0 : index
    %get3A_20 = arith.constant 0 : index
    %get3A_21 = vector.load %arg3[%get3A_19, %get3A_20] : memref<1024x1xf32, #tpu.memory_space<vmem>>, vector<1024x1xf32>
    %mul3A_22 = vector.broadcast %div3A : vector<1x1xf32> to vector<1024x1xf32>
    %mul3A_23 = arith.mulf %get3A_21, %mul3A_22 : vector<1024x1xf32>
    %add3A_24 = vector.broadcast %sub3A_18 : vector<1x1xf32> to vector<1024x1xf32>
    %add3A_25 = arith.addf %mul3A_23, %add3A_24 : vector<1024x1xf32>
    %jit3A = arith.constant 0.00999999977 : f32
    %ge3A = arith.constant 0.000000e+00 : f32
    %ge3A_26 = vector.broadcast %ge3A : f32 to vector<1024x1xf32>
    %ge3A_27 = arith.cmpf oge, %add3A_25, %ge3A_26 : vector<1024x1xf32>
    %mul3A_28 = vector.broadcast %jit3A : f32 to vector<1024x1xf32>
    %mul3A_29 = arith.mulf %mul3A_28, %add3A_25 : vector<1024x1xf32>
    %select_n3A = arith.select %ge3A_27, %add3A_25, %mul3A_29 : vector<1024x1xi1>, vector<1024x1xf32>
    %get3A_30 = arith.constant 0 : index
    %get3A_31 = arith.constant 0 : index
    %get3A_32 = vector.load %arg5[%get3A_30, %get3A_31] : memref<1x2xf32, #tpu.memory_space<vmem>>, vector<1x2xf32>
    %slice3A_33 = vector.extract_strided_slice %get3A_32 {offsets = [0, 0], sizes = [1, 1], strides = [1, 1]} : vector<1x2xf32> to vector<1x1xf32>
    %mul3A_34 = arith.constant 3.05175786E-6 : f32
    %mul3A_35 = vector.broadcast %mul3A_34 : f32 to vector<1x1xf32>
    %mul3A_36 = arith.mulf %slice3A_33, %mul3A_35 : vector<1x1xf32>
    %slice3A_37 = vector.extract_strided_slice %get3A_32 {offsets = [0, 1], sizes = [1, 1], strides = [1, 1]} : vector<1x2xf32> to vector<1x1xf32>
    %mul3A_38 = arith.constant 3.05175786E-6 : f32
    %mul3A_39 = vector.broadcast %mul3A_38 : f32 to vector<1x1xf32>
    %mul3A_40 = arith.mulf %slice3A_37, %mul3A_39 : vector<1x1xf32>
    %mul3A_41 = arith.mulf %mul3A_36, %mul3A_36 : vector<1x1xf32>
    %sub3A_42 = arith.subf %mul3A_40, %mul3A_41 : vector<1x1xf32>
    %get3A_43 = arith.constant 0 : index
    %get3A_44 = arith.constant 0 : index
    %get3A_45 = vector.load %arg8[%get3A_43, %get3A_44] : memref<1x1xf32, #tpu.memory_space<vmem>>, vector<1x1xf32>
    %add3A_46 = arith.constant 9.99999974E-6 : f32
    %add3A_47 = vector.broadcast %add3A_46 : f32 to vector<1x1xf32>
    %add3A_48 = arith.addf %sub3A_42, %add3A_47 : vector<1x1xf32>
    %sqrt3A_49 = math.sqrt %add3A_48 : vector<1x1xf32>
    %div3A_50 = arith.divf %get3A_45, %sqrt3A_49 : vector<1x1xf32>
    %get3A_51 = arith.constant 0 : index
    %get3A_52 = arith.constant 0 : index
    %get3A_53 = vector.load %arg9[%get3A_51, %get3A_52] : memref<1x1xf32, #tpu.memory_space<vmem>>, vector<1x1xf32>
    %mul3A_54 = arith.mulf %mul3A_36, %div3A_50 : vector<1x1xf32>
    %sub3A_55 = arith.subf %get3A_53, %mul3A_54 : vector<1x1xf32>
    %get3A_56 = arith.constant 0 : index
    %get3A_57 = arith.constant 0 : index
    %get3A_58 = vector.load %arg2[%get3A_56, %get3A_57] : memref<1024x20xf32, #tpu.memory_space<vmem>>, vector<1024x20xf32>
    %mul3A_59 = vector.broadcast %div3A_50 : vector<1x1xf32> to vector<1024x20xf32>
    %mul3A_60 = arith.mulf %get3A_58, %mul3A_59 : vector<1024x20xf32>
    %add3A_61 = vector.broadcast %sub3A_55 : vector<1x1xf32> to vector<1024x20xf32>
    %add3A_62 = arith.addf %mul3A_60, %add3A_61 : vector<1024x20xf32>
    %jit3A_63 = arith.constant 0.00999999977 : f32
    %ge3A_64 = arith.constant 0.000000e+00 : f32
    %ge3A_65 = vector.broadcast %ge3A_64 : f32 to vector<1024x20xf32>
    %ge3A_66 = arith.cmpf oge, %add3A_62, %ge3A_65 : vector<1024x20xf32>
    %mul3A_67 = vector.broadcast %jit3A_63 : f32 to vector<1024x20xf32>
    %mul3A_68 = arith.mulf %mul3A_67, %add3A_62 : vector<1024x20xf32>
    %select_n3A_69 = arith.select %ge3A_66, %add3A_62, %mul3A_68 : vector<1024x20xi1>, vector<1024x20xf32>
    %add3A_70 = vector.broadcast %select_n3A : vector<1024x1xf32> to vector<1024x20xf32>
    %add3A_71 = arith.addf %add3A_70, %select_n3A_69 : vector<1024x20xf32>
    %jit3A_72 = arith.constant 0.00999999977 : f32
    %ge3A_73 = arith.constant 0.000000e+00 : f32
    %ge3A_74 = vector.broadcast %ge3A_73 : f32 to vector<1024x20xf32>
    %ge3A_75 = arith.cmpf oge, %add3A_71, %ge3A_74 : vector<1024x20xf32>
    %mul3A_76 = vector.broadcast %jit3A_72 : f32 to vector<1024x20xf32>
    %mul3A_77 = arith.mulf %mul3A_76, %add3A_71 : vector<1024x20xf32>
    %select_n3A_78 = arith.select %ge3A_75, %add3A_71, %mul3A_77 : vector<1024x20xi1>, vector<1024x20xf32>
    %reduce_max3A = arith.constant dense<0xFF800000> : vector<1024xf32>
    %reduce_max3A_79 = vector.multi_reduction <maximumf>, %select_n3A_78, %reduce_max3A [1] : vector<1024x20xf32> to vector<1024xf32>
    %broadcast_in_dim3A = vector.shape_cast %reduce_max3A_79 : vector<1024xf32> to vector<1024x1xf32>
    %sub3A_80 = vector.broadcast %broadcast_in_dim3A : vector<1024x1xf32> to vector<1024x20xf32>
    %sub3A_81 = arith.subf %select_n3A_78, %sub3A_80 : vector<1024x20xf32>
    %exp3A = math.exp %sub3A_81 : vector<1024x20xf32>
    %reduce_sum3A = arith.constant dense<0.000000e+00> : vector<1024xf32>
    %reduce_sum3A_82 = vector.multi_reduction <add>, %exp3A, %reduce_sum3A [1] : vector<1024x20xf32> to vector<1024xf32>
    %broadcast_in_dim3A_83 = vector.shape_cast %reduce_sum3A_82 : vector<1024xf32> to vector<1024x1xf32>
    %div3A_84 = vector.broadcast %broadcast_in_dim3A_83 : vector<1024x1xf32> to vector<1024x20xf32>
    %div3A_85 = arith.divf %exp3A, %div3A_84 : vector<1024x20xf32>
    %get3A_86 = arith.constant 0 : index
    %get3A_87 = arith.constant 0 : index
    %get3A_88 = vector.load %arg10[%get3A_86, %get3A_87] : memref<20x320xf32, #tpu.memory_space<vmem>>, vector<20x320xf32>
    %dot_general3A = arith.constant dense<0.000000e+00> : vector<1024x320xf32>
    %dot_general3A_89 = tpu.matmul %div3A_85, %get3A_88, %dot_general3A {dimension_numbers = #tpu.dot_dimension_numbers<[1], [0], [0], [1], [0, 0, 1, 1], [], []>, transpose_lhs_hint = false} : vector<1024x20xf32>, vector<20x320xf32>, vector<1024x320xf32> -> vector<1024x320xf32>
    %get3A_90 = arith.constant 0 : index
    %get3A_91 = arith.constant 0 : index
    %get3A_92 = vector.load %arg1[%get3A_90, %get3A_91] : memref<1024x320xf32, #tpu.memory_space<vmem>>, vector<1024x320xf32>
    %mul3A_93 = arith.mulf %dot_general3A_89, %get3A_92 : vector<1024x320xf32>
    %get3A_94 = arith.constant 0 : index
    %get3A_95 = arith.constant 0 : index
    %get3A_96 = vector.load %arg11[%get3A_94, %get3A_95] : memref<320x16xf32, #tpu.memory_space<vmem>>, vector<320x16xf32>
    %dot_general3A_97 = arith.constant dense<0.000000e+00> : vector<1024x16xf32>
    %dot_general3A_98 = tpu.matmul %mul3A_93, %get3A_96, %dot_general3A_97 {dimension_numbers = #tpu.dot_dimension_numbers<[1], [0], [0], [1], [0, 0, 1, 1], [], []>, transpose_lhs_hint = false} : vector<1024x320xf32>, vector<320x16xf32>, vector<1024x16xf32> -> vector<1024x16xf32>
    %swap3A = arith.constant 0 : index
    %swap3A_99 = arith.constant 0 : index
    %swap3A_100 = vector.load %arg12[%swap3A, %swap3A_99] : memref<1024x16xf32, #tpu.memory_space<vmem>>, vector<1024x16xf32>
    tpu.vector_store %arg12[%swap3A, %swap3A_99], %dot_general3A_98 {strides = array<i32>} : memref<1024x16xf32, #tpu.memory_space<vmem>>, vector<1024x16xf32>,
    return
  }
  func.func @transform_0(%arg0: i32) -> (i32, i32) {
    %c0_i32 = arith.constant 0 : i32
    %c0_i32_0 = arith.constant 0 : i32
    return %arg0, %c0_i32 : i32, i32
  }
  func.func @transform_1(%arg0: i32) -> (i32, i32) {
    %c0_i32 = arith.constant 0 : i32
    %c0_i32_0 = arith.constant 0 : i32
    return %arg0, %c0_i32 : i32, i32
  }
  func.func @transform_2(%arg0: i32) -> (i32, i32) {
    %c0_i32 = arith.constant 0 : i32
    %c0_i32_0 = arith.constant 0 : i32
    return %arg0, %c0_i32 : i32, i32
  }
  func.func @transform_3(%arg0: i32) -> (i32, i32) {
    %c0_i32 = arith.constant 0 : i32
    %c0_i32_0 = arith.constant 0 : i32
    %c0_i32_1 = arith.constant 0 : i32
    return %c0_i32, %c0_i32_0 : i32, i32
  }
  func.func @transform_4(%arg0: i32) -> (i32, i32) {
    %c0_i32 = arith.constant 0 : i32
    %c0_i32_0 = arith.constant 0 : i32
    %c0_i32_1 = arith.constant 0 : i32
    return %c0_i32, %c0_i32_0 : i32, i32
  }
  func.func @transform_5(%arg0: i32) -> (i32, i32) {
    %c0_i32 = arith.constant 0 : i32
    %c0_i32_0 = arith.constant 0 : i32
    %c0_i32_1 = arith.constant 0 : i32
    return %c0_i32, %c0_i32_0 : i32, i32
  }
  func.func @transform_6(%arg0: i32) -> (i32, i32) {
    %c0_i32 = arith.constant 0 : i32
    %c0_i32_0 = arith.constant 0 : i32
    %c0_i32_1 = arith.constant 0 : i32
    return %c0_i32, %c0_i32_0 : i32, i32
  }
  func.func @transform_7(%arg0: i32) -> (i32, i32) {
    %c0_i32 = arith.constant 0 : i32
    %c0_i32_0 = arith.constant 0 : i32
    %c0_i32_1 = arith.constant 0 : i32
    return %c0_i32, %c0_i32_0 : i32, i32
  }
  func.func @transform_8(%arg0: i32) -> (i32, i32) {
    %c0_i32 = arith.constant 0 : i32
    %c0_i32_0 = arith.constant 0 : i32
    %c0_i32_1 = arith.constant 0 : i32
    return %c0_i32, %c0_i32_0 : i32, i32
  }
  func.func @transform_9(%arg0: i32) -> (i32, i32) {
    %c0_i32 = arith.constant 0 : i32
    %c0_i32_0 = arith.constant 0 : i32
    %c0_i32_1 = arith.constant 0 : i32
    return %c0_i32, %c0_i32_0 : i32, i32
  }
  func.func @transform_10(%arg0: i32) -> (i32, i32) {
    %c0_i32 = arith.constant 0 : i32
    %c0_i32_0 = arith.constant 0 : i32
    %c0_i32_1 = arith.constant 0 : i32
    return %c0_i32, %c0_i32_0 : i32, i32
  }
  func.func @transform_11(%arg0: i32) -> (i32, i32) {
    %c0_i32 = arith.constant 0 : i32
    %c0_i32_0 = arith.constant 0 : i32
    return %arg0, %c0_i32 : i32, i32
  }
}

</mosaic_0001>

<sc_bundles>
// kernel: kernel.7.cloned.1.call-start
scs
__scs_entry_jumppad:
0x0: {  	(pc) =	sbr.rel $0x88, $3  }
0x1: {  	(tag) =	ssettag $0x0;
	lr =	simm.s32 $0x1  }
0x2: {  	[smem:$0x3F94] =	sst lr;
	_ =	strace $0xD0000000  }
0x3: {  	_ = 	snop  }
0x4: {  	_ = 	snop  }
0x5: {  	_ = 	snop  }
0x6: {  	_ = 	snop  }
0x7: {  	_ = 	snop  }
__scs_overlays_trampoline_lowered:
0x8: {  	[smem:$0x3FA3] =	sst s0  }
0x9: {  	[smem:$0x3FA4] =	sst s1  }
0xa: {  	[smem:$0x3FA5] =	sst s2  }
0xb: {  	[smem:$0x3FA6] =	sst s3  }
0xc: {  	[smem:$0x3FA7] =	sst s4  }
0xd: {  	[smem:$0x3FA8] =	sst s5  }
0xe: {  	[smem:$0x3FA9] =	sst s6  }
0xf: {  	[smem:$0x3FAA] =	sst s7  }
0x10: {  	[smem:$0x3FAB] =	sst s8  }
0x11: {  	[smem:$0x3FAC] =	sst s9;
	s0 =	simm.s32 @!p0 $0x0  }
0x12: {  	s1 =	sld [smem:$0x3F92];
	s0 =	simm.s32 @p0 $0x1  }
0x13: {  	[smem:$0x3FAD] =	sst s0;
	s0 =	simm.s32 @!p1 $0x0  }
0x14: {  	s2 =	sld [smem:$0x3F91];
	s0 =	simm.s32 @p1 $0x1  }
0x15: {  	[smem:$0x3FAE] =	sst s0;
	s0 =	simm.s32 @!p2 $0x0  }
0x16: {  	s3 =	sld [smem:$0x3FDB];
	s0 =	simm.s32 @p2 $0x1  }
0x17: {  	s4 =	simm.s32 $0x1BF5;
	[smem:$0x3FB0] =	sst s0  }
0x18: {  	s0 =	sld [smem:$0x3F93];
	_ =	swait.ge [sflag:s4], $0x0  }
0x19: {  	s7 =	sld [smem:$0x3F94]  }
0x1a: {  	s8 =	sadd.s32 $0xFFFFE003, lr  }
0x1b: {  	s9 =	sadd.s32 $0xFFFFFEF7, lr;
	s5 =	simm.s32 $0xFFFFFFFF;
	p2 =	slt.u32 s8, $0xFFFFF086  }
0x1c: {  	p1 =	slt.u32 s9, $0xF7A;
	s5 =	simm.s32 @!p2 $0x0  }
0x1d: {  	s5 =	simm.s32 @p1 $0x1;
	p0 =	seq.s32 s7, s2  }
0x1e: {  	s7 =	smul.u32 @!p0 $0xF7A, s2;
	p2 =	seq.s32 @!p0 s5, $0x0  }
0x1f: {  	s9 =	smul.u32 $0xF7A, s1;
	s8 =	simm.s32 @!p0 $0x1BF5;
	p2 =	por !p2, p0  }
0x20: {  	[sflag:s8] =	ssyncset.s32 @!p0 $0xFFFFF086;
	s6 =	sadd.s32 @!p0 s3, s7;
	s7 =	simm.s32 @!p0 $0x108  }
0x21: {  	s3 =	sadd.s32 s3, s9;
	s6 =	sadd.s32 @!p0 $0x88, s6;
	s7 =	simm.s32 @p2 $0x1082  }
0x22: {  	[simem:s7], [sflag:s8] =	dma.local @!p0 [hbm:s6], $0xF7A  }
0x23: {  	s9 =	sor.u32 $0xD0000000, s2;
	s6 =	simm.s32 $0x108;
	_ =	swait.ge @!p0 [sflag:s8], $0x0  }
0x24: {  	s3 =	sadd.s32 $0x88, s3;
	s6 =	simm.s32 @!p1 $0x1082;
	[sflag:s4] =	ssyncset.s32 $0xFFFFF086  }
0x25: {  	[simem:s6], [sflag:s4] =	dma.local [hbm:s3], $0xF7A  }
0x26: {  	[smem:$0x3F94] =	sst s1;
	(tag) =	ssettag s2;
	_ =	strace s9  }
0x27: {  	s1 =	sld [smem:$0x3FA4]  }
0x28: {  	s2 =	sld [smem:$0x3FA5]  }
0x29: {  	s4 =	sld [smem:$0x3FA7]  }
0x2a: {  	p0 =	seq.s32 s5, $0x0;
	s5 =	sld [smem:$0x3FA8]  }
0x2b: {  	s6 =	sld [smem:$0x3FA9]  }
0x2c: {  	s7 =	sld [smem:$0x3FAA]  }
0x2d: {  	s3 =	simm.s32 $0x108;
	s8 =	sld [smem:$0x3FAB]  }
0x2e: {  	s3 =	simm.s32 @!p0 $0x1082;
	s9 =	sld [smem:$0x3FAC]  }
0x2f: {  	lr =	sadd.s32 s0, s3;
	s0 =	sld [smem:$0x3FA3]  }
0x30: {  	s3 =	sld [smem:$0x3FA6]  }
0x31: {  	[smem:$0x3FAF] =	sst s10  }
0x32: {  	s10 =	sld [smem:$0x3FAD];
	_ =	sdelay $0x3  }
0x33: {  	p0 =	seq.s32 s10, $0x1;
	s10 =	sld [smem:$0x3FAF];
	_ =	sdelay $0x3  }
0x34: {  	[smem:$0x3FAF] =	sst s10  }
0x35: {  	s10 =	sld [smem:$0x3FAE];
	_ =	sdelay $0x3  }
0x36: {  	p1 =	seq.s32 s10, $0x1;
	s10 =	sld [smem:$0x3FAF];
	_ =	sdelay $0x3  }
0x37: {  	[smem:$0x3FAF] =	sst s10  }
0x38: {  	s10 =	sld [smem:$0x3FB0]  }
0x39: {  	_ = 	snop;
	(pc) =	sbr.ind lr, $3  }
0x3a: {  	_ = 	snop  }
0x3b: {  	_ = 	snop  }
0x3c: {  	p2 =	seq.s32 s10, $0x1;
	s10 =	sld [smem:$0x3FAF]  }
0x3d: {  	_ =	shalt  }
0x3e: {  	_ =	shalt  }
0x3f: {  	_ =	shalt  }
0x40: {  	_ =	shalt  }
0x41: {  	_ =	shalt  }
0x42: {  	_ =	shalt  }
0x43: {  	_ =	shalt  }
0x44: {  	_ =	shalt  }
0x45: {  	_ =	shalt  }
0x46: {  	_ =	shalt  }
0x47: {  	_ =	shalt  }
0x48: {  	_ =	shalt  }
0x49: {  	_ =	shalt  }
0x4a: {  	_ =	shalt  }
0x4b: {  	_ =	shalt  }
0x4c: {  	_ =	shalt  }
0x4d: {  	_ =	shalt  }
0x4e: {  	_ =	shalt  }
0x4f: {  	_ =	shalt  }
0x50: {  	_ =	shalt  }
0x51: {  	_ =	shalt  }
0x52: {  	_ =	shalt  }
0x53: {  	_ =	shalt  }
0x54: {  	_ =	shalt  }
0x55: {  	_ =	shalt  }
0x56: {  	_ =	shalt  }
0x57: {  	_ =	shalt  }
0x58: {  	_ =	shalt  }
0x59: {  	_ =	shalt  }
0x5a: {  	_ =	shalt  }
0x5b: {  	_ =	shalt  }
0x5c: {  	_ =	shalt  }
0x5d: {  	_ =	shalt  }
0x5e: {  	_ =	shalt  }
0x5f: {  	_ =	shalt  }
0x60: {  	_ =	shalt  }
0x61: {  	_ =	shalt  }
0x62: {  	_ =	shalt  }
0x63: {  	_ =	shalt  }
0x64: {  	_ =	shalt  }
0x65: {  	_ =	shalt  }
0x66: {  	_ =	shalt  }
0x67: {  	_ =	shalt  }
0x68: {  	_ =	shalt  }
0x69: {  	_ =	shalt  }
0x6a: {  	_ =	shalt  }
0x6b: {  	_ =	shalt  }
0x6c: {  	_ =	shalt  }
0x6d: {  	_ =	shalt  }
0x6e: {  	_ =	shalt  }
0x6f: {  	_ =	shalt  }
0x70: {  	_ =	shalt  }
0x71: {  	_ =	shalt  }
0x72: {  	_ =	shalt  }
0x73: {  	_ =	shalt  }
0x74: {  	_ =	shalt  }
0x75: {  	_ =	shalt  }
0x76: {  	_ =	shalt  }
0x77: {  	_ =	shalt  }
0x78: {  	_ =	shalt  }
0x79: {  	_ =	shalt  }
0x7a: {  	_ =	shalt  }
0x7b: {  	_ =	shalt  }
0x7c: {  	_ =	shalt  }
0x7d: {  	_ =	shalt  }
0x7e: {  	_ =	shalt  }
0x7f: {  	_ =	shalt  }
0x80: {  	_ =	shalt  }
0x81: {  	_ =	shalt  }
0x82: {  	_ =	shalt  }
0x83: {  	_ =	shalt  }
0x84: {  	_ =	shalt  }
0x85: {  	_ =	shalt  }
0x86: {  	_ =	shalt  }
0x87: {  	_ =	shalt  }
.Lfunc_end0:
.L_simem_size_0:
called_computation_lowered:
.L_overlay_start_0:
0x88: {  	s2 =	sld [smem:$0x3FD9]  }
0x89: {  	s3 =	sld [smem:$0x3FFE];
	_ =	sdelay $0x1  }
0x8a: {  	s1 =	srdreg.scid  }
0x8b: {  	s0 =	sand.u32 $0x1, s1  }
0x8c: {  	s14 =	sshll.u32 s0, $0xA;
	s2 =	sadd.s32 s3, s2  }
0x8d: {  	s2 =	sadd.s32 s2, s14  }
0x8e: {  	[smem:$0x3FBB] =	sst s2  }
0x8f: {  	_ = 	snop  }
0x90: {  	s2 =	sld [smem:$0x3FD0];
	_ =	sdelay $0x2  }
0x91: {  	s15 =	simm.s32 $0xA;
	s4 =	simm.s32 $0x10  }
0x92: {  	[smem:s4], [sflag:s15] =	dma.local [hbm:s2], $0x1  }
0x93: {  	_ =	swait.eq [sflag:s15], $0x1  }
0x94: {  	[sflag:s15] =	ssyncset.done $0x0  }
0x95: {  	s16 =	sld [smem:$0x10];
	[sflag:s15] =	ssyncadd.s32 $0xFFFFFFFF  }
0x96: {  	s17 =	sld [smem:$0x11];
	(tm) =	ssettm $0x1  }
0x97: {  	s18 =	sld [smem:$0x3FFB];
	_ =	sdelay $0x3  }
0x98: {  	_ =	strace s18  }
0x99: {  	s4 =	sld [smem:$0x3FFC];
	_ =	sdelay $0x3  }
0x9a: {  	_ =	strace s4  }
0x9b: {  	s4 =	sld [smem:$0x3FFD];
	_ =	sdelay $0x3  }
0x9c: {  	_ =	strace s4  }
0x9d: {  	_ =	strace $0x8FFFFFFF  }
0x9e: {  	s19 =	sld [smem:$0x3FDB];
	_ =	sdelay $0x1  }
0x9f: {  	s5 =	simm.s32 $_scs_section_size  }
0xa0: {  	s6 =	simm.s32 $_size__tile_overlayer_lowered;
	s7 =	simm.s32 $_tile_overlayer_lowered  }
0xa1: {  	s22 =	simm.s32 $0x1BFF;
	s21 =	sshll.u32 s7, $0x1;
	s4 =	sadd.s32 s5, s19  }
0xa2: {  	s8 =	simm.s32 $0x0;
	s20 =	sshll.u32 s6, $0x1;
	s6 =	sadd.s32 s21, s4  }
0xa3: {  	[timem:s8], [sflag:s22] =	dma.local [hbm:s6], s20  }
0xa4: {  	_ =	swait.ge [sflag:s22], s20  }
0xa5: {  	s5 =	ssub.s32 $0x0, s20;
	[sflag:s22] =	ssyncset.done $0x0  }
0xa6: {  	[sflag:s22] =	ssyncadd.s32 s5;
	_ =	sdelay $0x1  }
0xa7: {  	s23 =	simm.s32 $0x1B8B  }
0xa8: {  	_ =	swait.ge [sflag:s23], $0x1  }
0xa9: {  	[sflag:s23] =	ssyncset.done $0x0  }
0xaa: {  	s25 =	simm.s32 $0x1B8E;
	s24 =	sld [smem:$0x3FFE];
	[sflag:s23] =	ssyncadd.s32 $0xFFFFFFFF  }
0xab: {  	s26 =	simm.s32 $execute0_lowered;
	[smem:$0x3FD2] =	sst s25  }
0xac: {  	s6 =	sshll.u32 s26, $0x1;
	_ =	strace $0x80000046;
	[dreg:$0x1] =	wrdreg $0xFFFFFFFF  }
0xad: {  	s28 =	simm.s32 $_size_execute0_lowered;
	s4 =	sadd.s32 s4, s6;
	[dreg:$0x0] =	wrdreg $0x0  }
0xae: {  	s6 =	sshll.u32 s28, $0x1;
	[dreg:$0x2] =	wrdreg s4  }
0xaf: {  	[dreg:$0x3] =	wrdreg s6  }
0xb0: {  	[dreg:$0x4] =	wrdreg $0xC0  }
0xb1: {  	_ =	task [dreg:s8], $0x5FFFF  }
0xb2: {  	[dreg:$0x1] =	wrdreg $0xFFFFFFFF  }
0xb3: {  	[dreg:$0x0] =	wrdreg $0x60  }
0xb4: {  	[dreg:$0x2] =	wrdreg s16  }
0xb5: {  	[dreg:$0x3] =	wrdreg s17  }
0xb6: {  	[dreg:$0x4] =	wrdreg s24  }
0xb7: {  	[dreg:$0x5] =	wrdreg $0x9  }
0xb8: {  	_ =	task.clear_ibuf [dreg:s8], $0x6FFFF;
	_ =	strace $0x90000046  }
0xb9: {  	s29 =	simm.s32 $0x9;
	_ =	strace $0x80000048  }
0xba: {  	_ =	swait.ge [sflag:s29], $0x1  }
0xbb: {  	[sflag:s29] =	ssyncadd.s32 $0xFFFFFFFF  }
0xbc: {  	_ =	strace $0x90000048  }
0xbd: {  	_ =	sfence  }
0xbe: {  	s30 =	sld [smem:$0x0];
	_ =	sdelay $0x2  }
0xbf: {  	s31 =	sshll.u32 s1, $0xD;
	s1 =	sshrl.u32 s1, $0x2  }
0xc0: {  	s3 =	sand.u32 $0x4000, s31;
	s1 =	sadd.s32 s1, s30  }
0xc1: {  	s0 =	sor.u32 s3, s0;
	s1 =	sshll.u32 s1, $0x11  }
0xc2: {  	s0 =	sor.u32 s1, s0  }
0xc3: {  	s0 =	sadd.s32 $0x8F2B, s0  }
0xc4: {  	[sflag:s0] =	ssyncadd.remote.s32 $0x1  }
0xc5: {  	_ =	sfence.sel $0xFFFF  }
0xc6: {  	[dreg:$0x0] =	wrdreg $0xFFFFFFFF;
	(pc) =	sbr.abs _section_cstart, $3  }
0xc7: {  	[dreg:$0x1] =	wrdreg $0xFFFFFFFF  }
0xc8: {  	_ =	task.clear_ibuf [dreg:s8], $0x2FFFF;
	_ =	strace $0x9FFFFFFF  }
0xc9: {  	(tm) =	ssettm $0x7FFFFFFF  }
tec
execute0_lowered:
.L_overlay_start_1:
0x0: {  	(tag) =	ssettag $0x1  }
0x1: {  	s5 =	rddreg [dreg:$0x0]  }
0x2: {  	s6 =	rddreg [dreg:$0x1]  }
0x3: {  	s3 =	rddreg [dreg:$0x2]  }
0x4: {  	s0 =	rddreg [dreg:$0x3];
	s2 =	simm.s32 $0x0;
	s4 =	srdreg.scid  }
0x5: {  	s1 =	stileid.u32;
	s11 =	simm.s32 $0x1;
	s12 =	simm.s32 $0x2  }
0x6: {  	s13 =	simm.s32 $0xA800;
	s14 =	simm.s32 $0xC000;
	s15 =	simm.s32 $0x3  }
0x7: {  	s16 =	simm.s32 $0x4;
	s17 =	simm.s32 $0x0;
	[smem:$0x7FF] =	sst s2  }
0x8: {  	s3 =	sadd.s32 $0x2600, s3;
	s4 =	sand.u32 $0x1, s4;
	s7 =	sshll.u32 s1, $0x1  }
0x9: {  	s31 =	sshll.u32 s1, $0xA;
	s8 =	ssub.s32 $0x2, s4;
	s4 =	sor.u32 s4, s7  }
0xa: {  	_ =	strace $0x80000047;
	s7 =	sand.u32 $0x3800, s31;
	s10 =	smul.u32 $0x500, s4  }
0xb: {  	s9 =	sshrl.u32 s8, $0x1;
	s4 =	sshll.u32 s4, $0x9;
	s5 =	sadd.s32 s5, s7  }
0xc: {  	s8 =	ssub.s32 s8, s9;
	s9 =	simm.s32 $0x20000;
	s6 =	sadd.s32 s6, s10  }
0xd: {  	v0 =	vlaneseq.u32;
	v1 =	vimm.s32 $0x0;
	s7 =	smax.u32 s8, $0x1;
	s8 =	simm.s32 $0x4000;
	s10 =	simm.s32 $0x8000  }
.LBB2_1:
0xe: {  	[tilespmem:s2], [sflag:$0x1] =	stream.strided.gather [hbm4b:s5+s8], $0x8000, s9, s8, $0x38;
	[tilespmem:$0xD800] =	vst v63  }
0xf: {  	_ = 	snop  }
0x10: {  	[tilespmem:s10], [sflag:$0x2] =	stream.linear.gather [hbm4b:s6+s2], $0x2800, $0x38;
	[tilespmem:$0xD800] =	vst v63  }
0x11: {  	_ =	swait.ge [sflag:s11], $0x8000  }
0x12: {  	[sflag:s11] =	ssyncset.done $0x0  }
0x13: {  	[sflag:s11] =	ssyncadd.s32 $0xFFFF8000  }
0x14: {  	_ =	swait.ge [sflag:s12], $0x2800  }
0x15: {  	s18 =	simm.s32 $0x8140;
	[sflag:s12] =	ssyncset.done $0x0  }
0x16: {  	s19 =	simm.s32 $0x0;
	s20 =	simm.s32 $0x0;
	[sflag:s12] =	ssyncadd.s32 $0xFFFFD800  }
.LBB2_2:
0x17: {  	p0 =	seq.s32 s20, $0x0  }
0x18: {  	s22 =	simm.s32 $0x0;
	s21 =	simm.s32 @!p0 $0x3  }
0x19: {  	s23 =	sadd.s32 $0x0, s19;
	v2 =	vor.u32 s22, v0;
	_ =	swait.ge @!p0 [sflag:s21], $0x1800  }
0x1a: {  	s23 =	sand.u32 $0x7F80, s23;
	s24 =	sand.u32 $0x70, s22;
	v3 =	vmulhi.u32 $0xCCCCCCCD, v2;
	[sflag:s21] =	ssyncset.done @!p0 $0x0  }
0x1b: {  	s30 =	sor.u32 s24, s23;
	[sflag:s21] =	ssyncadd.s32 @!p0 $0xFFFFE800  }
0x1c: {  	v3 =	vshrl.u32 v3, $0x4;
	v4 =	vld [tilespmem:s30+$0x8000]  }
0x1d: {  	v5 =	vmul.u32 $0xFFFFFFEC, v3;
	_ =	sdelay $0x1  }
0x1e: {  	v6 =	vmov s22;
	v2 =	vadd.s32 v2, v5  }
0x1f: {  	vm0 =	veq.s32 v6, v0;
	vm1 =	vne.s32 v2, $0x0  }
0x20: {  	vm0 =	vmand vm0, vm1;
	v5 =	vshll.u32 v4, $0x3  }
0x21: {  	v4 =	vand.u32 $0x7F, v4;
	v6 =	vsel vm0, $0xFFFFFFFF, v1;
	v5 =	vand.u32 $0xFFFFFC00, v5  }
0x22: {  	v3 =	vadd.s32 v6, v3;
	v4 =	vor.u32 v4, v5  }
0x23: {  	v6 =	vshll.u32 v2, $0x4;
	v5 =	vshrl.u32 v3, $0x3  }
0x24: {  	v2 =	vshll.u32 v2, $0x7;
	v3 =	vshll.u32 v3, $0x7;
	v5 =	vmul.u32 $0xC00, v5  }
0x25: {  	v6 =	vand.u32 $0x70, v6;
	v2 =	vand.u32 $0xC00, v2;
	v3 =	vand.u32 $0x380, v3  }
0x26: {  	v3 =	vor.u32 v6, v3;
	v2 =	vadd.s32 v2, v5  }
0x27: {  	v2 =	vor.u32 v2, v3;
	v5 =	vld.idx.msk [tilespmem:v4+s2+$0x0], $0xffff  }
0x28: {  	v3 =	vor.u32 $0x80, v4;
	_ =	sdelay $0x3  }
0x29: {  	[tilespmem:v2+s13+$0x0] =	vst.idx.msk $0xffff, v5  }
0x2a: {  	v5 =	vor.u32 $0x1, v2;
	v3 =	vld.idx.msk [tilespmem:v3+s2+$0x0], $0xffff  }
0x2b: {  	v6 =	vor.u32 $0x100, v4;
	_ =	sdelay $0x3  }
0x2c: {  	[tilespmem:v5+s13+$0x0] =	vst.idx.msk $0xffff, v3  }
0x2d: {  	v5 =	vor.u32 $0x2, v2;
	v3 =	vld.idx.msk [tilespmem:v6+s2+$0x0], $0xffff  }
0x2e: {  	v6 =	vor.u32 $0x180, v4;
	_ =	sdelay $0x3  }
0x2f: {  	[tilespmem:v5+s13+$0x0] =	vst.idx.msk $0xffff, v3  }
0x30: {  	v5 =	vor.u32 $0x3, v2;
	v3 =	vld.idx.msk [tilespmem:v6+s2+$0x0], $0xffff  }
0x31: {  	v6 =	vor.u32 $0x200, v4;
	_ =	sdelay $0x3  }
0x32: {  	[tilespmem:v5+s13+$0x0] =	vst.idx.msk $0xffff, v3  }
0x33: {  	v5 =	vor.u32 $0x4, v2;
	v3 =	vld.idx.msk [tilespmem:v6+s2+$0x0], $0xffff  }
0x34: {  	v6 =	vor.u32 $0x280, v4;
	_ =	sdelay $0x3  }
0x35: {  	[tilespmem:v5+s13+$0x0] =	vst.idx.msk $0xffff, v3  }
0x36: {  	v5 =	vor.u32 $0x5, v2;
	v3 =	vld.idx.msk [tilespmem:v6+s2+$0x0], $0xffff  }
0x37: {  	v6 =	vor.u32 $0x300, v4;
	_ =	sdelay $0x3  }
0x38: {  	[tilespmem:v5+s13+$0x0] =	vst.idx.msk $0xffff, v3  }
0x39: {  	v5 =	vor.u32 $0x6, v2;
	v3 =	vld.idx.msk [tilespmem:v6+s2+$0x0], $0xffff  }
0x3a: {  	v6 =	vor.u32 $0x380, v4;
	_ =	sdelay $0x3  }
0x3b: {  	[tilespmem:v5+s13+$0x0] =	vst.idx.msk $0xffff, v3  }
0x3c: {  	v5 =	vor.u32 $0x7, v2;
	v3 =	vld.idx.msk [tilespmem:v6+s2+$0x0], $0xffff  }
0x3d: {  	v6 =	vadd.s32 $0x4000, v4;
	_ =	sdelay $0x3  }
0x3e: {  	[tilespmem:v5+s13+$0x0] =	vst.idx.msk $0xffff, v3  }
0x3f: {  	v5 =	vor.u32 $0x8, v2;
	v3 =	vld.idx.msk [tilespmem:v6+s2+$0x0], $0xffff  }
0x40: {  	v6 =	vadd.s32 $0x4080, v4;
	_ =	sdelay $0x3  }
0x41: {  	[tilespmem:v5+s13+$0x0] =	vst.idx.msk $0xffff, v3  }
0x42: {  	v5 =	vor.u32 $0x9, v2;
	v3 =	vld.idx.msk [tilespmem:v6+s2+$0x0], $0xffff  }
0x43: {  	v6 =	vadd.s32 $0x4100, v4;
	_ =	sdelay $0x3  }
0x44: {  	[tilespmem:v5+s13+$0x0] =	vst.idx.msk $0xffff, v3  }
0x45: {  	v5 =	vor.u32 $0xA, v2;
	v3 =	vld.idx.msk [tilespmem:v6+s2+$0x0], $0xffff  }
0x46: {  	v6 =	vadd.s32 $0x4180, v4;
	_ =	sdelay $0x3  }
0x47: {  	[tilespmem:v5+s13+$0x0] =	vst.idx.msk $0xffff, v3  }
0x48: {  	v5 =	vor.u32 $0xB, v2;
	v3 =	vld.idx.msk [tilespmem:v6+s2+$0x0], $0xffff  }
0x49: {  	v6 =	vadd.s32 $0x4200, v4;
	_ =	sdelay $0x3  }
0x4a: {  	[tilespmem:v5+s13+$0x0] =	vst.idx.msk $0xffff, v3  }
0x4b: {  	v5 =	vor.u32 $0xC, v2;
	v3 =	vld.idx.msk [tilespmem:v6+s2+$0x0], $0xffff  }
0x4c: {  	v6 =	vadd.s32 $0x4280, v4;
	_ =	sdelay $0x3  }
0x4d: {  	[tilespmem:v5+s13+$0x0] =	vst.idx.msk $0xffff, v3  }
0x4e: {  	v5 =	vor.u32 $0xD, v2;
	v3 =	vld.idx.msk [tilespmem:v6+s2+$0x0], $0xffff  }
0x4f: {  	v6 =	vadd.s32 $0x4300, v4;
	_ =	sdelay $0x3  }
0x50: {  	[tilespmem:v5+s13+$0x0] =	vst.idx.msk $0xffff, v3  }
0x51: {  	v5 =	vor.u32 $0xE, v2;
	v3 =	vld.idx.msk [tilespmem:v6+s2+$0x0], $0xffff  }
0x52: {  	v4 =	vadd.s32 $0x4380, v4;
	_ =	sdelay $0x3  }
0x53: {  	[tilespmem:v5+s13+$0x0] =	vst.idx.msk $0xffff, v3  }
0x54: {  	v3 =	vor.u32 $0xF, v2;
	v4 =	vld.idx.msk [tilespmem:v4+s2+$0x0], $0xffff;
	_ =	sdelay $0x1  }
0x55: {  	s31 =	sadd.s32 $0x10, s19;
	s22 =	simm.s32 $0x10;
	s23 =	simm.s32 $0x20  }
0x56: {  	s24 =	sand.u32 $0x7F80, s31;
	s25 =	sand.u32 $0x70, s22;
	s21 =	sshll.u32 s20, $0x1;
	v2 =	vor.u32 s22, v0  }
.LBB2_3:
0x57: {  	p1 =	sne.s32 s23, $0x130  }
0x58: {  	v5 =	vmulhi.u32 $0xCCCCCCCD, v2;
	s24 =	sor.u32 s25, s24;
	[tilespmem:v3+s13+$0x0] =	vst.idx.msk $0xffff, v4;
	s25 =	smov.u32 s23;
	s23 =	sadd.s32 $0x10, s23  }
0x59: {  	v3 =	vld [tilespmem:s24+$0x8000]  }
0x5a: {  	v4 =	vshrl.u32 v5, $0x4  }
0x5b: {  	v5 =	vmul.u32 $0xFFFFFFEC, v4;
	_ =	sdelay $0x1  }
0x5c: {  	v6 =	vmov s22;
	s22 =	smov.u32 s25;
	v5 =	vadd.s32 v2, v5  }
0x5d: {  	vm0 =	veq.s32 v6, v0;
	vm1 =	vne.s32 v5, $0x0;
	v2 =	vshll.u32 v3, $0x3  }
0x5e: {  	v3 =	vand.u32 $0x7F, v3;
	vm0 =	vmand vm0, vm1;
	v2 =	vand.u32 $0xFFFFFC00, v2  }
0x5f: {  	v6 =	vsel vm0, $0xFFFFFFFF, v1;
	v2 =	vor.u32 v3, v2  }
0x60: {  	v3 =	vadd.s32 v6, v4  }
0x61: {  	v4 =	vshrl.u32 v3, $0x3;
	v3 =	vshll.u32 v3, $0x7  }
0x62: {  	v6 =	vshll.u32 v5, $0x4;
	v5 =	vshll.u32 v5, $0x7;
	v4 =	vmul.u32 $0xC00, v4  }
0x63: {  	v6 =	vand.u32 $0x70, v6;
	v5 =	vand.u32 $0xC00, v5;
	v3 =	vand.u32 $0x380, v3  }
0x64: {  	v3 =	vor.u32 v6, v3;
	v7 =	vld.idx.msk [tilespmem:v2+s2+$0x0], $0xffff;
	v4 =	vadd.s32 v5, v4  }
0x65: {  	v3 =	vor.u32 v4, v3  }
0x66: {  	v4 =	vor.u32 $0x80, v2;
	_ =	sdelay $0x3  }
0x67: {  	[tilespmem:v3+s13+$0x0] =	vst.idx.msk $0xffff, v7  }
0x68: {  	v4 =	vld.idx.msk [tilespmem:v4+s2+$0x0], $0xffff  }
0x69: {  	v5 =	vor.u32 $0x1, v3  }
0x6a: {  	v6 =	vor.u32 $0x100, v2;
	_ =	sdelay $0x3  }
0x6b: {  	[tilespmem:v5+s13+$0x0] =	vst.idx.msk $0xffff, v4  }
0x6c: {  	v4 =	vld.idx.msk [tilespmem:v6+s2+$0x0], $0xffff  }
0x6d: {  	v5 =	vor.u32 $0x2, v3  }
0x6e: {  	v6 =	vor.u32 $0x180, v2;
	_ =	sdelay $0x3  }
0x6f: {  	[tilespmem:v5+s13+$0x0] =	vst.idx.msk $0xffff, v4  }
0x70: {  	v4 =	vld.idx.msk [tilespmem:v6+s2+$0x0], $0xffff  }
0x71: {  	v5 =	vor.u32 $0x3, v3  }
0x72: {  	v6 =	vor.u32 $0x200, v2;
	_ =	sdelay $0x3  }
0x73: {  	[tilespmem:v5+s13+$0x0] =	vst.idx.msk $0xffff, v4  }
0x74: {  	v4 =	vld.idx.msk [tilespmem:v6+s2+$0x0], $0xffff  }
0x75: {  	v5 =	vor.u32 $0x4, v3  }
0x76: {  	v6 =	vor.u32 $0x280, v2;
	_ =	sdelay $0x3  }
0x77: {  	[tilespmem:v5+s13+$0x0] =	vst.idx.msk $0xffff, v4  }
0x78: {  	v4 =	vld.idx.msk [tilespmem:v6+s2+$0x0], $0xffff  }
0x79: {  	v5 =	vor.u32 $0x5, v3  }
0x7a: {  	v6 =	vor.u32 $0x300, v2;
	_ =	sdelay $0x3  }
0x7b: {  	[tilespmem:v5+s13+$0x0] =	vst.idx.msk $0xffff, v4  }
0x7c: {  	v4 =	vld.idx.msk [tilespmem:v6+s2+$0x0], $0xffff  }
0x7d: {  	v5 =	vor.u32 $0x6, v3  }
0x7e: {  	v6 =	vor.u32 $0x380, v2;
	_ =	sdelay $0x3  }
0x7f: {  	[tilespmem:v5+s13+$0x0] =	vst.idx.msk $0xffff, v4  }
0x80: {  	v4 =	vld.idx.msk [tilespmem:v6+s2+$0x0], $0xffff  }
0x81: {  	v5 =	vor.u32 $0x7, v3  }
0x82: {  	v6 =	vadd.s32 $0x4000, v2;
	_ =	sdelay $0x3  }
0x83: {  	[tilespmem:v5+s13+$0x0] =	vst.idx.msk $0xffff, v4  }
0x84: {  	v4 =	vld.idx.msk [tilespmem:v6+s2+$0x0], $0xffff  }
0x85: {  	v5 =	vor.u32 $0x8, v3  }
0x86: {  	v6 =	vadd.s32 $0x4080, v2;
	_ =	sdelay $0x3  }
0x87: {  	[tilespmem:v5+s13+$0x0] =	vst.idx.msk $0xffff, v4  }
0x88: {  	v4 =	vld.idx.msk [tilespmem:v6+s2+$0x0], $0xffff  }
0x89: {  	v5 =	vor.u32 $0x9, v3  }
0x8a: {  	v6 =	vadd.s32 $0x4100, v2;
	_ =	sdelay $0x3  }
0x8b: {  	[tilespmem:v5+s13+$0x0] =	vst.idx.msk $0xffff, v4  }
0x8c: {  	v4 =	vld.idx.msk [tilespmem:v6+s2+$0x0], $0xffff  }
0x8d: {  	v5 =	vor.u32 $0xA, v3  }
0x8e: {  	v6 =	vadd.s32 $0x4180, v2;
	_ =	sdelay $0x3  }
0x8f: {  	[tilespmem:v5+s13+$0x0] =	vst.idx.msk $0xffff, v4  }
0x90: {  	v4 =	vld.idx.msk [tilespmem:v6+s2+$0x0], $0xffff  }
0x91: {  	v5 =	vor.u32 $0xB, v3  }
0x92: {  	v6 =	vadd.s32 $0x4200, v2;
	_ =	sdelay $0x3  }
0x93: {  	[tilespmem:v5+s13+$0x0] =	vst.idx.msk $0xffff, v4  }
0x94: {  	v4 =	vld.idx.msk [tilespmem:v6+s2+$0x0], $0xffff  }
0x95: {  	v5 =	vor.u32 $0xC, v3  }
0x96: {  	v6 =	vadd.s32 $0x4280, v2;
	_ =	sdelay $0x3  }
0x97: {  	[tilespmem:v5+s13+$0x0] =	vst.idx.msk $0xffff, v4  }
0x98: {  	v4 =	vld.idx.msk [tilespmem:v6+s2+$0x0], $0xffff  }
0x99: {  	v5 =	vor.u32 $0xD, v3  }
0x9a: {  	v6 =	vadd.s32 $0x4300, v2;
	_ =	sdelay $0x3  }
0x9b: {  	[tilespmem:v5+s13+$0x0] =	vst.idx.msk $0xffff, v4  }
0x9c: {  	v4 =	vld.idx.msk [tilespmem:v6+s2+$0x0], $0xffff  }
0x9d: {  	v5 =	vor.u32 $0xE, v3  }
0x9e: {  	v2 =	vadd.s32 $0x4380, v2;
	_ =	sdelay $0x3  }
0x9f: {  	[tilespmem:v5+s13+$0x0] =	vst.idx.msk $0xffff, v4  }
0xa0: {  	v4 =	vld.idx.msk [tilespmem:v2+s2+$0x0], $0xffff  }
.Ltmp0:
0xa1: {  	v3 =	vor.u32 $0xF, v3;
	(pc) =	sbr.rel @p1 .LBB2_3-.Ltmp0, $3  }
0xa2: {  	_ =	sdelay $0x1  }
0xa3: {  	s24 =	sadd.s32 s22, s19  }
0xa4: {  	s25 =	sand.u32 $0x70, s22;
	s24 =	sand.u32 $0x7F80, s24;
	v2 =	vor.u32 s22, v0  }
0xa5: {  	_ =	sdelay $0x2  }
0xa6: {  	v5 =	vmulhi.u32 $0xCCCCCCCD, v2  }
0xa7: {  	s23 =	sor.u32 s25, s24;
	[tilespmem:v3+s13+$0x0] =	vst.idx.msk $0xffff, v4  }
0xa8: {  	v3 =	vld [tilespmem:s23+$0x8000];
	v4 =	vshrl.u32 v5, $0x4  }
0xa9: {  	v5 =	vmul.u32 $0xFFFFFFEC, v4;
	_ =	sdelay $0x1  }
0xaa: {  	v6 =	vmov s22;
	v2 =	vadd.s32 v2, v5  }
0xab: {  	vm0 =	veq.s32 v6, v0;
	vm1 =	vne.s32 v2, $0x0  }
0xac: {  	v5 =	vshll.u32 v3, $0x3;
	vm0 =	vmand vm0, vm1  }
0xad: {  	v3 =	vand.u32 $0x7F, v3;
	v5 =	vand.u32 $0xFFFFFC00, v5;
	v6 =	vsel vm0, $0xFFFFFFFF, v1  }
0xae: {  	v3 =	vor.u32 v3, v5;
	v4 =	vadd.s32 v6, v4  }
0xaf: {  	v6 =	vshll.u32 v2, $0x4;
	v5 =	vshrl.u32 v4, $0x3  }
0xb0: {  	v2 =	vshll.u32 v2, $0x7;
	v4 =	vshll.u32 v4, $0x7;
	v5 =	vmul.u32 $0xC00, v5  }
0xb1: {  	v6 =	vand.u32 $0x70, v6;
	v2 =	vand.u32 $0xC00, v2;
	v4 =	vand.u32 $0x380, v4  }
0xb2: {  	v4 =	vor.u32 v6, v4;
	v2 =	vadd.s32 v2, v5  }
0xb3: {  	v5 =	vld.idx.msk [tilespmem:v3+s2+$0x0], $0xffff;
	v2 =	vor.u32 v2, v4  }
0xb4: {  	v4 =	vor.u32 $0x80, v3;
	_ =	sdelay $0x3  }
0xb5: {  	[tilespmem:v2+s13+$0x0] =	vst.idx.msk $0xffff, v5  }
0xb6: {  	v5 =	vor.u32 $0x1, v2;
	v4 =	vld.idx.msk [tilespmem:v4+s2+$0x0], $0xffff  }
0xb7: {  	v6 =	vor.u32 $0x100, v3;
	_ =	sdelay $0x3  }
0xb8: {  	[tilespmem:v5+s13+$0x0] =	vst.idx.msk $0xffff, v4  }
0xb9: {  	v5 =	vor.u32 $0x2, v2;
	v4 =	vld.idx.msk [tilespmem:v6+s2+$0x0], $0xffff  }
0xba: {  	v6 =	vor.u32 $0x180, v3;
	_ =	sdelay $0x3  }
0xbb: {  	[tilespmem:v5+s13+$0x0] =	vst.idx.msk $0xffff, v4  }
0xbc: {  	v5 =	vor.u32 $0x3, v2;
	v4 =	vld.idx.msk [tilespmem:v6+s2+$0x0], $0xffff  }
0xbd: {  	v6 =	vor.u32 $0x200, v3;
	_ =	sdelay $0x3  }
0xbe: {  	[tilespmem:v5+s13+$0x0] =	vst.idx.msk $0xffff, v4  }
0xbf: {  	v5 =	vor.u32 $0x4, v2;
	v4 =	vld.idx.msk [tilespmem:v6+s2+$0x0], $0xffff  }
0xc0: {  	v6 =	vor.u32 $0x280, v3;
	_ =	sdelay $0x3  }
0xc1: {  	[tilespmem:v5+s13+$0x0] =	vst.idx.msk $0xffff, v4  }
0xc2: {  	v5 =	vor.u32 $0x5, v2;
	v4 =	vld.idx.msk [tilespmem:v6+s2+$0x0], $0xffff  }
0xc3: {  	v6 =	vor.u32 $0x300, v3;
	_ =	sdelay $0x3  }
0xc4: {  	[tilespmem:v5+s13+$0x0] =	vst.idx.msk $0xffff, v4  }
0xc5: {  	v5 =	vor.u32 $0x6, v2;
	v4 =	vld.idx.msk [tilespmem:v6+s2+$0x0], $0xffff  }
0xc6: {  	v6 =	vor.u32 $0x380, v3;
	_ =	sdelay $0x3  }
0xc7: {  	[tilespmem:v5+s13+$0x0] =	vst.idx.msk $0xffff, v4  }
0xc8: {  	v5 =	vor.u32 $0x7, v2;
	v4 =	vld.idx.msk [tilespmem:v6+s2+$0x0], $0xffff  }
0xc9: {  	v6 =	vadd.s32 $0x4000, v3;
	_ =	sdelay $0x3  }
0xca: {  	[tilespmem:v5+s13+$0x0] =	vst.idx.msk $0xffff, v4  }
0xcb: {  	v5 =	vor.u32 $0x8, v2;
	v4 =	vld.idx.msk [tilespmem:v6+s2+$0x0], $0xffff  }
0xcc: {  	v6 =	vadd.s32 $0x4080, v3;
	_ =	sdelay $0x3  }
0xcd: {  	[tilespmem:v5+s13+$0x0] =	vst.idx.msk $0xffff, v4  }
0xce: {  	v5 =	vor.u32 $0x9, v2;
	v4 =	vld.idx.msk [tilespmem:v6+s2+$0x0], $0xffff  }
0xcf: {  	v6 =	vadd.s32 $0x4100, v3;
	_ =	sdelay $0x3  }
0xd0: {  	[tilespmem:v5+s13+$0x0] =	vst.idx.msk $0xffff, v4  }
0xd1: {  	v5 =	vor.u32 $0xA, v2;
	v4 =	vld.idx.msk [tilespmem:v6+s2+$0x0], $0xffff  }
0xd2: {  	v6 =	vadd.s32 $0x4180, v3;
	_ =	sdelay $0x3  }
0xd3: {  	[tilespmem:v5+s13+$0x0] =	vst.idx.msk $0xffff, v4  }
0xd4: {  	v5 =	vor.u32 $0xB, v2;
	v4 =	vld.idx.msk [tilespmem:v6+s2+$0x0], $0xffff  }
0xd5: {  	v6 =	vadd.s32 $0x4200, v3;
	_ =	sdelay $0x3  }
0xd6: {  	[tilespmem:v5+s13+$0x0] =	vst.idx.msk $0xffff, v4  }
0xd7: {  	v5 =	vor.u32 $0xC, v2;
	v4 =	vld.idx.msk [tilespmem:v6+s2+$0x0], $0xffff  }
0xd8: {  	v6 =	vadd.s32 $0x4280, v3;
	_ =	sdelay $0x3  }
0xd9: {  	[tilespmem:v5+s13+$0x0] =	vst.idx.msk $0xffff, v4  }
0xda: {  	v5 =	vor.u32 $0xD, v2;
	v4 =	vld.idx.msk [tilespmem:v6+s2+$0x0], $0xffff  }
0xdb: {  	v6 =	vadd.s32 $0x4300, v3;
	_ =	sdelay $0x3  }
0xdc: {  	[tilespmem:v5+s13+$0x0] =	vst.idx.msk $0xffff, v4  }
0xdd: {  	v5 =	vor.u32 $0xE, v2;
	v4 =	vld.idx.msk [tilespmem:v6+s2+$0x0], $0xffff  }
0xde: {  	v3 =	vadd.s32 $0x4380, v3;
	_ =	sdelay $0x3  }
0xdf: {  	[tilespmem:v5+s13+$0x0] =	vst.idx.msk $0xffff, v4  }
0xe0: {  	s30 =	sshll.u32 s20, $0x5;
	v2 =	vor.u32 $0xF, v2;
	v3 =	vld.idx.msk [tilespmem:v3+s2+$0x0], $0xffff  }
0xe1: {  	s22 =	sadd.s32 s4, s30  }
0xe2: {  	s22 =	sshrl.u32 s22, $0x3  }
0xe3: {  	s22 =	smul.u32 $0x180, s22;
	_ =	sdelay $0x1  }
0xe4: {  	s31 =	simm.s32 $0x0;
	s23 =	simm.s32 @!p0 $0x4;
	s22 =	sadd.s32 s3, s22;
	[tilespmem:v2+s13+$0x0] =	vst.idx.msk $0xffff, v3  }
0xe5: {  	v2 =	vor.u32 s31, v0;
	[hbm4b:s22+s2] =	stream.linear.scatter [tilespmem:s13], [sflag:$0x3], $0x1800, $0x38;
	[tilespmem:$0xD800] =	vst v63  }
0xe6: {  	v3 =	vmulhi.u32 $0xCCCCCCCD, v2;
	_ =	swait.ge @!p0 [sflag:s23], $0x1800  }
0xe7: {  	[sflag:s23] =	ssyncset.done @!p0 $0x0  }
0xe8: {  	v3 =	vshrl.u32 v3, $0x4;
	[sflag:s23] =	ssyncadd.s32 @!p0 $0xFFFFE800  }
0xe9: {  	v5 =	vmul.u32 $0xFFFFFFEC, v3;
	v4 =	vld [tilespmem:s18+$0x0];
	_ =	sdelay $0x1  }
0xea: {  	v6 =	vmov s31;
	v2 =	vadd.s32 v2, v5  }
0xeb: {  	vm14 =	veq.s32 v6, v0;
	vm15 =	vne.s32 v2, $0x0  }
0xec: {  	vm0 =	vmand vm14, vm15  }
0xed: {  	v6 =	vsel vm0, $0xFFFFFFFF, v1;
	v5 =	vshll.u32 v4, $0x3  }
0xee: {  	v4 =	vand.u32 $0x7F, v4;
	v3 =	vadd.s32 v6, v3;
	v5 =	vand.u32 $0xFFFFFC00, v5  }
0xef: {  	v6 =	vshll.u32 v2, $0x4;
	v4 =	vor.u32 v4, v5;
	v5 =	vshrl.u32 v3, $0x3  }
0xf0: {  	v2 =	vshll.u32 v2, $0x7;
	v3 =	vshll.u32 v3, $0x7;
	v5 =	vmul.u32 $0xC00, v5  }
0xf1: {  	v6 =	vand.u32 $0x70, v6;
	v2 =	vand.u32 $0xC00, v2;
	v3 =	vand.u32 $0x380, v3  }
0xf2: {  	v3 =	vor.u32 v6, v3;
	v2 =	vadd.s32 v5, v2  }
0xf3: {  	v2 =	vor.u32 v3, v2  }
0xf4: {  	v3 =	vld.idx.msk [tilespmem:v4+s2+$0x0], $0xffff;
	v5 =	vadd.s32 $0x1800, v2  }
0xf5: {  	v6 =	vor.u32 $0x80, v4;
	_ =	sdelay $0x3  }
0xf6: {  	[tilespmem:v5+s13+$0x0] =	vst.idx.msk $0xffff, v3  }
0xf7: {  	v3 =	vld.idx.msk [tilespmem:v6+s2+$0x0], $0xffff;
	v6 =	vor.u32 $0x1, v5  }
0xf8: {  	v7 =	vor.u32 $0x100, v4;
	_ =	sdelay $0x3  }
0xf9: {  	[tilespmem:v6+s13+$0x0] =	vst.idx.msk $0xffff, v3  }
0xfa: {  	v6 =	vor.u32 $0x2, v5;
	v3 =	vld.idx.msk [tilespmem:v7+s2+$0x0], $0xffff  }
0xfb: {  	v7 =	vor.u32 $0x180, v4;
	_ =	sdelay $0x3  }
0xfc: {  	[tilespmem:v6+s13+$0x0] =	vst.idx.msk $0xffff, v3  }
0xfd: {  	v6 =	vadd.s32 $0x1803, v2;
	v3 =	vld.idx.msk [tilespmem:v7+s2+$0x0], $0xffff  }
0xfe: {  	v7 =	vor.u32 $0x200, v4;
	_ =	sdelay $0x3  }
0xff: {  	[tilespmem:v6+s13+$0x0] =	vst.idx.msk $0xffff, v3  }
0x100: {  	v6 =	vadd.s32 $0x1804, v2;
	v3 =	vld.idx.msk [tilespmem:v7+s2+$0x0], $0xffff  }
0x101: {  	v7 =	vor.u32 $0x280, v4;
	_ =	sdelay $0x3  }
0x102: {  	[tilespmem:v6+s13+$0x0] =	vst.idx.msk $0xffff, v3  }
0x103: {  	v6 =	vor.u32 $0x5, v5;
	v3 =	vld.idx.msk [tilespmem:v7+s2+$0x0], $0xffff  }
0x104: {  	v7 =	vor.u32 $0x300, v4;
	_ =	sdelay $0x3  }
0x105: {  	[tilespmem:v6+s13+$0x0] =	vst.idx.msk $0xffff, v3  }
0x106: {  	v6 =	vor.u32 $0x6, v5;
	v3 =	vld.idx.msk [tilespmem:v7+s2+$0x0], $0xffff  }
0x107: {  	v7 =	vor.u32 $0x380, v4;
	_ =	sdelay $0x3  }
0x108: {  	[tilespmem:v6+s13+$0x0] =	vst.idx.msk $0xffff, v3  }
0x109: {  	v2 =	vadd.s32 $0x1807, v2;
	v3 =	vld.idx.msk [tilespmem:v7+s2+$0x0], $0xffff  }
0x10a: {  	v6 =	vadd.s32 $0x4000, v4;
	_ =	sdelay $0x3  }
0x10b: {  	[tilespmem:v2+s13+$0x0] =	vst.idx.msk $0xffff, v3  }
0x10c: {  	v3 =	vor.u32 $0x8, v5;
	v2 =	vld.idx.msk [tilespmem:v6+s2+$0x0], $0xffff  }
0x10d: {  	v6 =	vadd.s32 $0x4080, v4;
	_ =	sdelay $0x3  }
0x10e: {  	[tilespmem:v3+s13+$0x0] =	vst.idx.msk $0xffff, v2  }
0x10f: {  	v3 =	vor.u32 $0x9, v5;
	v2 =	vld.idx.msk [tilespmem:v6+s2+$0x0], $0xffff  }
0x110: {  	v6 =	vadd.s32 $0x4100, v4;
	_ =	sdelay $0x3  }
0x111: {  	[tilespmem:v3+s13+$0x0] =	vst.idx.msk $0xffff, v2  }
0x112: {  	v3 =	vor.u32 $0xA, v5;
	v2 =	vld.idx.msk [tilespmem:v6+s2+$0x0], $0xffff  }
0x113: {  	v6 =	vadd.s32 $0x4180, v4;
	_ =	sdelay $0x3  }
0x114: {  	[tilespmem:v3+s13+$0x0] =	vst.idx.msk $0xffff, v2  }
0x115: {  	v3 =	vor.u32 $0xB, v5;
	v2 =	vld.idx.msk [tilespmem:v6+s2+$0x0], $0xffff  }
0x116: {  	v6 =	vadd.s32 $0x4200, v4;
	_ =	sdelay $0x3  }
0x117: {  	[tilespmem:v3+s13+$0x0] =	vst.idx.msk $0xffff, v2  }
0x118: {  	v3 =	vor.u32 $0xC, v5;
	v2 =	vld.idx.msk [tilespmem:v6+s2+$0x0], $0xffff  }
0x119: {  	v6 =	vadd.s32 $0x4280, v4;
	_ =	sdelay $0x3  }
0x11a: {  	[tilespmem:v3+s13+$0x0] =	vst.idx.msk $0xffff, v2  }
0x11b: {  	v3 =	vor.u32 $0xD, v5;
	v2 =	vld.idx.msk [tilespmem:v6+s2+$0x0], $0xffff  }
0x11c: {  	v6 =	vadd.s32 $0x4300, v4;
	_ =	sdelay $0x3  }
0x11d: {  	[tilespmem:v3+s13+$0x0] =	vst.idx.msk $0xffff, v2  }
0x11e: {  	v3 =	vor.u32 $0xE, v5;
	v2 =	vld.idx.msk [tilespmem:v6+s2+$0x0], $0xffff  }
0x11f: {  	v4 =	vadd.s32 $0x4380, v4;
	_ =	sdelay $0x3  }
0x120: {  	[tilespmem:v3+s13+$0x0] =	vst.idx.msk $0xffff, v2  }
0x121: {  	v3 =	vor.u32 $0xF, v5;
	v4 =	vld.idx.msk [tilespmem:v4+s2+$0x0], $0xffff  }
0x122: {  	s22 =	simm.s32 $0x10  }
0x123: {  	v2 =	vor.u32 s22, v0  }
0x124: {  	s21 =	sor.u32 $0x1, s21;
	s24 =	smov.u32 s18;
	s23 =	simm.s32 $0x20;
	v5 =	vmulhi.u32 $0xCCCCCCCD, v2  }
.LBB2_5:
0x125: {  	p0 =	sne.s32 s23, $0x130  }
0x126: {  	[tilespmem:v3+s13+$0x0] =	vst.idx.msk $0xffff, v4;
	s24 =	sadd.s32 $0x10, s24;
	s25 =	smov.u32 s23;
	s23 =	sadd.s32 $0x10, s23  }
0x127: {  	v3 =	vshrl.u32 v5, $0x4;
	v4 =	vld [tilespmem:s24+$0x0]  }
0x128: {  	v5 =	vmul.u32 $0xFFFFFFEC, v3;
	_ =	sdelay $0x1  }
0x129: {  	v6 =	vmov s22;
	s22 =	smov.u32 s25;
	v5 =	vadd.s32 v2, v5  }
0x12a: {  	vm0 =	veq.s32 v6, v0;
	vm1 =	vne.s32 v5, $0x0;
	v6 =	vshll.u32 v5, $0x4  }
0x12b: {  	vm0 =	vmand vm0, vm1;
	v2 =	vshll.u32 v4, $0x3  }
0x12c: {  	v4 =	vand.u32 $0x7F, v4;
	v7 =	vsel vm0, $0xFFFFFFFF, v1;
	v2 =	vand.u32 $0xFFFFFC00, v2  }
0x12d: {  	v3 =	vadd.s32 v7, v3;
	v2 =	vor.u32 v4, v2  }
0x12e: {  	v4 =	vshrl.u32 v3, $0x3;
	v3 =	vshll.u32 v3, $0x7  }
0x12f: {  	v5 =	vshll.u32 v5, $0x7;
	v4 =	vmul.u32 $0xC00, v4;
	v3 =	vand.u32 $0x380, v3  }
0x130: {  	v6 =	vand.u32 $0x70, v6;
	v5 =	vand.u32 $0xC00, v5  }
0x131: {  	v3 =	vor.u32 v6, v3;
	v4 =	vadd.s32 v4, v5  }
0x132: {  	v5 =	vld.idx.msk [tilespmem:v2+s2+$0x0], $0xffff;
	v4 =	vor.u32 v3, v4  }
0x133: {  	v3 =	vadd.s32 $0x1800, v4  }
0x134: {  	v6 =	vor.u32 $0x80, v2;
	_ =	sdelay $0x3  }
0x135: {  	[tilespmem:v3+s13+$0x0] =	vst.idx.msk $0xffff, v5  }
0x136: {  	v5 =	vld.idx.msk [tilespmem:v6+s2+$0x0], $0xffff  }
0x137: {  	v6 =	vor.u32 $0x1, v3  }
0x138: {  	v7 =	vor.u32 $0x100, v2;
	_ =	sdelay $0x3  }
0x139: {  	[tilespmem:v6+s13+$0x0] =	vst.idx.msk $0xffff, v5  }
0x13a: {  	v5 =	vld.idx.msk [tilespmem:v7+s2+$0x0], $0xffff  }
0x13b: {  	v6 =	vor.u32 $0x2, v3  }
0x13c: {  	v7 =	vor.u32 $0x180, v2;
	_ =	sdelay $0x3  }
0x13d: {  	[tilespmem:v6+s13+$0x0] =	vst.idx.msk $0xffff, v5  }
0x13e: {  	v5 =	vld.idx.msk [tilespmem:v7+s2+$0x0], $0xffff  }
0x13f: {  	v6 =	vadd.s32 $0x1803, v4  }
0x140: {  	v7 =	vor.u32 $0x200, v2;
	_ =	sdelay $0x3  }
0x141: {  	[tilespmem:v6+s13+$0x0] =	vst.idx.msk $0xffff, v5  }
0x142: {  	v5 =	vld.idx.msk [tilespmem:v7+s2+$0x0], $0xffff  }
0x143: {  	v6 =	vadd.s32 $0x1804, v4  }
0x144: {  	v7 =	vor.u32 $0x280, v2;
	_ =	sdelay $0x3  }
0x145: {  	[tilespmem:v6+s13+$0x0] =	vst.idx.msk $0xffff, v5  }
0x146: {  	v5 =	vld.idx.msk [tilespmem:v7+s2+$0x0], $0xffff  }
0x147: {  	v6 =	vor.u32 $0x5, v3  }
0x148: {  	v7 =	vor.u32 $0x300, v2;
	_ =	sdelay $0x3  }
0x149: {  	[tilespmem:v6+s13+$0x0] =	vst.idx.msk $0xffff, v5  }
0x14a: {  	v5 =	vld.idx.msk [tilespmem:v7+s2+$0x0], $0xffff  }
0x14b: {  	v6 =	vor.u32 $0x6, v3  }
0x14c: {  	v7 =	vor.u32 $0x380, v2;
	_ =	sdelay $0x3  }
0x14d: {  	[tilespmem:v6+s13+$0x0] =	vst.idx.msk $0xffff, v5  }
0x14e: {  	v5 =	vld.idx.msk [tilespmem:v7+s2+$0x0], $0xffff  }
0x14f: {  	v4 =	vadd.s32 $0x1807, v4  }
0x150: {  	v6 =	vadd.s32 $0x4000, v2;
	_ =	sdelay $0x3  }
0x151: {  	[tilespmem:v4+s13+$0x0] =	vst.idx.msk $0xffff, v5  }
0x152: {  	v4 =	vld.idx.msk [tilespmem:v6+s2+$0x0], $0xffff  }
0x153: {  	v5 =	vor.u32 $0x8, v3  }
0x154: {  	v6 =	vadd.s32 $0x4080, v2;
	_ =	sdelay $0x3  }
0x155: {  	[tilespmem:v5+s13+$0x0] =	vst.idx.msk $0xffff, v4  }
0x156: {  	v4 =	vld.idx.msk [tilespmem:v6+s2+$0x0], $0xffff  }
0x157: {  	v5 =	vor.u32 $0x9, v3  }
0x158: {  	v6 =	vadd.s32 $0x4100, v2;
	_ =	sdelay $0x3  }
0x159: {  	[tilespmem:v5+s13+$0x0] =	vst.idx.msk $0xffff, v4  }
0x15a: {  	v4 =	vld.idx.msk [tilespmem:v6+s2+$0x0], $0xffff  }
0x15b: {  	v5 =	vor.u32 $0xA, v3  }
0x15c: {  	v6 =	vadd.s32 $0x4180, v2;
	_ =	sdelay $0x3  }
0x15d: {  	[tilespmem:v5+s13+$0x0] =	vst.idx.msk $0xffff, v4  }
0x15e: {  	v4 =	vld.idx.msk [tilespmem:v6+s2+$0x0], $0xffff  }
0x15f: {  	v5 =	vor.u32 $0xB, v3  }
0x160: {  	v6 =	vadd.s32 $0x4200, v2;
	_ =	sdelay $0x3  }
0x161: {  	[tilespmem:v5+s13+$0x0] =	vst.idx.msk $0xffff, v4  }
0x162: {  	v4 =	vld.idx.msk [tilespmem:v6+s2+$0x0], $0xffff  }
0x163: {  	v5 =	vor.u32 $0xC, v3  }
0x164: {  	v6 =	vadd.s32 $0x4280, v2;
	_ =	sdelay $0x3  }
0x165: {  	[tilespmem:v5+s13+$0x0] =	vst.idx.msk $0xffff, v4  }
0x166: {  	v4 =	vld.idx.msk [tilespmem:v6+s2+$0x0], $0xffff  }
0x167: {  	v5 =	vor.u32 $0xD, v3  }
0x168: {  	v6 =	vadd.s32 $0x4300, v2;
	_ =	sdelay $0x3  }
0x169: {  	[tilespmem:v5+s13+$0x0] =	vst.idx.msk $0xffff, v4  }
0x16a: {  	v4 =	vld.idx.msk [tilespmem:v6+s2+$0x0], $0xffff  }
0x16b: {  	v5 =	vor.u32 $0xE, v3  }
0x16c: {  	v2 =	vadd.s32 $0x4380, v2;
	_ =	sdelay $0x3  }
0x16d: {  	[tilespmem:v5+s13+$0x0] =	vst.idx.msk $0xffff, v4  }
0x16e: {  	v4 =	vld.idx.msk [tilespmem:v2+s2+$0x0], $0xffff  }
.Ltmp1:
0x16f: {  	v3 =	vor.u32 $0xF, v3;
	(pc) =	sbr.rel @p0 .LBB2_5-.Ltmp1, $3  }
0x170: {  	_ =	sdelay $0x1  }
0x171: {  	v2 =	vor.u32 s22, v0  }
0x172: {  	v5 =	vmulhi.u32 $0xCCCCCCCD, v2  }
0x173: {  	_ =	sdelay $0x3  }
0x174: {  	[tilespmem:v3+s13+$0x0] =	vst.idx.msk $0xffff, v4;
	s23 =	sadd.s32 $0x10, s24;
	v3 =	vshrl.u32 v5, $0x4  }
0x175: {  	v4 =	vld [tilespmem:s23+$0x0];
	v5 =	vmul.u32 $0xFFFFFFEC, v3;
	_ =	sdelay $0x1  }
0x176: {  	v6 =	vmov s22;
	v2 =	vadd.s32 v2, v5  }
0x177: {  	vm0 =	veq.s32 v6, v0;
	vm1 =	vne.s32 v2, $0x0  }
0x178: {  	vm0 =	vmand vm0, vm1  }
0x179: {  	v40 =	vshll.u32 v4, $0x3;
	v41 =	vsel vm0, $0xFFFFFFFF, v1  }
0x17a: {  	v4 =	vand.u32 $0x7F, v4;
	v5 =	vand.u32 $0xFFFFFC00, v40;
	v3 =	vadd.s32 v41, v3  }
0x17b: {  	v42 =	vshll.u32 v2, $0x4;
	v4 =	vor.u32 v4, v5;
	v43 =	vshrl.u32 v3, $0x3  }
0x17c: {  	v2 =	vshll.u32 v2, $0x7;
	v3 =	vshll.u32 v3, $0x7;
	v5 =	vmul.u32 $0xC00, v43  }
0x17d: {  	v6 =	vand.u32 $0x70, v42;
	v2 =	vand.u32 $0xC00, v2;
	v3 =	vand.u32 $0x380, v3  }
0x17e: {  	v3 =	vor.u32 v6, v3;
	v2 =	vadd.s32 v5, v2  }
0x17f: {  	v2 =	vor.u32 v3, v2  }
0x180: {  	v3 =	vld.idx.msk [tilespmem:v4+s2+$0x0], $0xffff;
	v44 =	vadd.s32 $0x1800, v2  }
0x181: {  	v45 =	vor.u32 $0x80, v4;
	_ =	sdelay $0x3  }
0x182: {  	[tilespmem:v44+s13+$0x0] =	vst.idx.msk $0xffff, v3  }
0x183: {  	v46 =	vor.u32 $0x1, v44;
	v3 =	vld.idx.msk [tilespmem:v45+s2+$0x0], $0xffff  }
0x184: {  	v7 =	vor.u32 $0x100, v4;
	_ =	sdelay $0x3  }
0x185: {  	[tilespmem:v46+s13+$0x0] =	vst.idx.msk $0xffff, v3  }
0x186: {  	v47 =	vor.u32 $0x2, v44;
	v3 =	vld.idx.msk [tilespmem:v7+s2+$0x0], $0xffff  }
0x187: {  	v48 =	vor.u32 $0x180, v4;
	_ =	sdelay $0x3  }
0x188: {  	[tilespmem:v47+s13+$0x0] =	vst.idx.msk $0xffff, v3  }
0x189: {  	v49 =	vadd.s32 $0x1803, v2;
	v3 =	vld.idx.msk [tilespmem:v48+s2+$0x0], $0xffff  }
0x18a: {  	v50 =	vor.u32 $0x200, v4;
	_ =	sdelay $0x3  }
0x18b: {  	[tilespmem:v49+s13+$0x0] =	vst.idx.msk $0xffff, v3  }
0x18c: {  	v51 =	vadd.s32 $0x1804, v2;
	v3 =	vld.idx.msk [tilespmem:v50+s2+$0x0], $0xffff  }
0x18d: {  	v52 =	vor.u32 $0x280, v4;
	_ =	sdelay $0x3  }
0x18e: {  	[tilespmem:v51+s13+$0x0] =	vst.idx.msk $0xffff, v3  }
0x18f: {  	v53 =	vor.u32 $0x5, v44;
	v3 =	vld.idx.msk [tilespmem:v52+s2+$0x0], $0xffff  }
0x190: {  	v54 =	vor.u32 $0x300, v4;
	_ =	sdelay $0x3  }
0x191: {  	[tilespmem:v53+s13+$0x0] =	vst.idx.msk $0xffff, v3  }
0x192: {  	v55 =	vor.u32 $0x6, v44;
	v3 =	vld.idx.msk [tilespmem:v54+s2+$0x0], $0xffff  }
0x193: {  	v56 =	vor.u32 $0x380, v4;
	_ =	sdelay $0x3  }
0x194: {  	[tilespmem:v55+s13+$0x0] =	vst.idx.msk $0xffff, v3  }
0x195: {  	v2 =	vadd.s32 $0x1807, v2;
	v3 =	vld.idx.msk [tilespmem:v56+s2+$0x0], $0xffff  }
0x196: {  	v57 =	vadd.s32 $0x4000, v4;
	_ =	sdelay $0x3  }
0x197: {  	[tilespmem:v2+s13+$0x0] =	vst.idx.msk $0xffff, v3  }
0x198: {  	v3 =	vor.u32 $0x8, v44;
	v2 =	vld.idx.msk [tilespmem:v57+s2+$0x0], $0xffff  }
0x199: {  	v58 =	vadd.s32 $0x4080, v4;
	_ =	sdelay $0x3  }
0x19a: {  	[tilespmem:v3+s13+$0x0] =	vst.idx.msk $0xffff, v2  }
0x19b: {  	v3 =	vor.u32 $0x9, v44;
	v2 =	vld.idx.msk [tilespmem:v58+s2+$0x0], $0xffff  }
0x19c: {  	v59 =	vadd.s32 $0x4100, v4;
	_ =	sdelay $0x3  }
0x19d: {  	[tilespmem:v3+s13+$0x0] =	vst.idx.msk $0xffff, v2  }
0x19e: {  	v3 =	vor.u32 $0xA, v44;
	v2 =	vld.idx.msk [tilespmem:v59+s2+$0x0], $0xffff  }
0x19f: {  	v60 =	vadd.s32 $0x4180, v4;
	_ =	sdelay $0x3  }
0x1a0: {  	[tilespmem:v3+s13+$0x0] =	vst.idx.msk $0xffff, v2  }
0x1a1: {  	v3 =	vor.u32 $0xB, v44;
	v2 =	vld.idx.msk [tilespmem:v60+s2+$0x0], $0xffff  }
0x1a2: {  	v61 =	vadd.s32 $0x4200, v4;
	_ =	sdelay $0x3  }
0x1a3: {  	[tilespmem:v3+s13+$0x0] =	vst.idx.msk $0xffff, v2  }
0x1a4: {  	v3 =	vor.u32 $0xC, v44;
	v2 =	vld.idx.msk [tilespmem:v61+s2+$0x0], $0xffff  }
0x1a5: {  	v62 =	vadd.s32 $0x4280, v4;
	_ =	sdelay $0x3  }
0x1a6: {  	[tilespmem:v3+s13+$0x0] =	vst.idx.msk $0xffff, v2  }
0x1a7: {  	v3 =	vor.u32 $0xD, v44;
	v2 =	vld.idx.msk [tilespmem:v62+s2+$0x0], $0xffff  }
0x1a8: {  	v63 =	vadd.s32 $0x4300, v4;
	_ =	sdelay $0x3  }
0x1a9: {  	[tilespmem:v3+s13+$0x0] =	vst.idx.msk $0xffff, v2  }
0x1aa: {  	v3 =	vor.u32 $0xE, v44;
	v2 =	vld.idx.msk [tilespmem:v63+s2+$0x0], $0xffff  }
0x1ab: {  	v4 =	vadd.s32 $0x4380, v4;
	_ =	sdelay $0x3  }
0x1ac: {  	[tilespmem:v3+s13+$0x0] =	vst.idx.msk $0xffff, v2  }
0x1ad: {  	s21 =	sshll.u32 s21, $0x4;
	s20 =	sadd.s32 $0x1, s20;
	v3 =	vor.u32 $0xF, v44;
	v2 =	vld.idx.msk [tilespmem:v4+s2+$0x0], $0xffff  }
0x1ae: {  	s21 =	sadd.s32 s4, s21;
	p0 =	sne.s32 s20, $0x10  }
.Ltmp2:
0x1af: {  	s21 =	sshrl.u32 s21, $0x3;
	(pc) =	sbr.rel @p0 .LBB2_2-.Ltmp2, $3  }
0x1b0: {  	s21 =	smul.u32 $0x180, s21;
	_ =	sdelay $0x1  }
0x1b1: {  	s19 =	sadd.s32 $0x280, s19;
	s18 =	sadd.s32 $0x280, s18;
	s21 =	sadd.s32 s3, s21;
	[tilespmem:v3+s13+$0x0] =	vst.idx.msk $0xffff, v2  }
0x1b2: {  	[hbm4b:s21+s2] =	stream.linear.scatter [tilespmem:s14], [sflag:$0x4], $0x1800, $0x38;
	[tilespmem:$0xD800] =	vst v63  }
0x1b3: {  	s17 =	sadd.s32 $0x1, s17  }
0x1b4: {  	_ =	swait.ge [sflag:s15], $0x1800;
	p0 =	sne.s32 s17, s7  }
.Ltmp3:
0x1b5: {  	[sflag:s15] =	ssyncset.done $0x0;
	(pc) =	sbr.rel @p0 .LBB2_1-.Ltmp3, $4  }
0x1b6: {  	[sflag:s15] =	ssyncadd.s32 $0xFFFFE800  }
0x1b7: {  	_ =	swait.ge [sflag:s16], $0x1800  }
0x1b8: {  	[sflag:s16] =	ssyncset.done $0x0  }
0x1b9: {  	[sflag:s16] =	ssyncadd.s32 $0xFFFFE800  }
0x1ba: {  	_ =	sfence.sel $0x180000  }
0x1bb: {  	[bflag:$0x0] =	sbarrier.arrive $0xFFFF  }
0x1bc: {  	p0 =	sne.s32 s1, $0x0;
	_ =	strace $0x90000047  }
0x1bd: {  	s0 =	sadd.s32 @!p0 $0x100000, s0;
	[bflag:$0x2] =	sbarrier.arrive $0xFFFF  }
0x1be: {  	[sflag:s0] =	ssyncadd.tile.s32 @!p0 $0x1;
	_ =	shalt  }
.Lfunc_end2:
_tile_overlayer_lowered:
.L_overlay_start_2:
0x1bf: {  	(tag) =	ssettag $0x2  }
0x1c0: {  	s0 =	rddreg [dreg:$0x0];
	s2 =	stileid.u32  }
0x1c1: {  	s1 =	rddreg [dreg:$0x1];
	p0 =	sne.s32 s2, $0x0  }
0x1c2: {  	s3 =	rddreg [dreg:$0x2];
	[bflag:$0x3] =	sbarrier.arrive $0xFFFF;
	s2 =	simm.s32 @!p0 $0x1C05  }
0x1c3: {  	[timem:s3], [sflag:s2] =	dma.local @!p0 [hbm:s0], s1  }
0x1c4: {  	s0 =	simm.s32 @!p0 $0x5  }
0x1c5: {  	_ =	swait.ge @!p0 [sflag:s0], s1  }
0x1c6: {  	s1 =	ssub.s32 @!p0 $0x0, s1;
	[sflag:s0] =	ssyncset.done @!p0 $0x0  }
0x1c7: {  	[sflag:s0] =	ssyncadd.s32 @!p0 s1  }
0x1c8: {  	[bflag:$0x3] =	sbarrier.arrive $0xFFFF  }
0x1c9: {  	_ =	shalt  }

</sc_bundles>
